<compile_context>
chip_gen: v7x
topology: tpu7x:2x2x1
jax: 0.10.2.dev20260603
libtpu: 0.0.44.dev20260713+nightly
codegen_flags: <defaults>
</compile_context>

<pallas_src>
import jax
import jax.numpy as jnp
from jax.experimental import pallas as pl
from jax.experimental.pallas import tpu as pltpu

N_FILTERS = 16
GRAPHLET = 3
N_GROUPS = 32
REL_DIM = 16
PROJ_DIM = 16
KEY_DIM = 16
BETA = KEY_DIM ** (-0.5)
NQ = N_GROUPS * GRAPHLET
ROWS_PER_STEP = 2
TRUNC_FIX = 1.0 + 2.0 ** -9


def _interleave_odd(a):
    r, c = a.shape
    z = jnp.zeros_like(a)
    return jnp.stack([z, a], axis=2).reshape(r, 2 * c)


def _fused_kernel(x_ref, q_ref, pos_ref, wk_ref, wp_ref, m_ref, o_ref, pq_ref):
    i = pl.program_id(0)
    d = wk_ref.shape[0]

    @pl.when(i == 0)
    def _init():
        pq_ref[...] = BETA * jax.lax.dot_general(
            q_ref[...], pos_ref[...], (((1,), (1,)), ((), ())),
            preferred_element_type=jnp.float32)

    qw = (BETA * jax.lax.dot_general(
        q_ref[...], wk_ref[...], (((1,), (1,)), ((), ())),
        preferred_element_type=jnp.float32))
    qwi = _interleave_odd(qw).astype(jnp.bfloat16)
    wpx = _interleave_odd(wp_ref[...].T * TRUNC_FIX).T
    ones = jnp.ones((x_ref.shape[1], 8), dtype=jnp.bfloat16)
    lane = jax.lax.broadcasted_iota(jnp.int32, (x_ref.shape[1], 2 * d), 1)
    oddlane = (lane % 2) == 1
    zx = jnp.zeros((x_ref.shape[1], 2 * d), dtype=jnp.bfloat16)
    rows = jax.lax.broadcasted_iota(jnp.int32, (N_GROUPS, NQ), 0)
    cols = jax.lax.broadcasted_iota(jnp.int32, (N_GROUPS, NQ), 1)
    sels = [(cols == GRAPHLET * rows + g).astype(jnp.float32)
            for g in range(GRAPHLET)]
    for r in range(ROWS_PER_STEP):
        x = jnp.where(oddlane, x_ref[r], zx)
        logits = jax.lax.dot_general(
            qwi, x, (((1,), (1,)), ((), ())),
            preferred_element_type=jnp.float32) + pq_ref[...]
        e = jnp.exp(logits)
        eb = e.astype(jnp.bfloat16)
        dsum = jnp.dot(eb, ones, preferred_element_type=jnp.float32)
        denom = jnp.sum(dsum, axis=1, keepdims=True) / 8.0
        p = jnp.dot(eb, x, preferred_element_type=jnp.float32)
        z = jnp.dot(p, wpx, preferred_element_type=jnp.float32) / denom
        zs = [jnp.dot(sels[g], z, preferred_element_type=jnp.float32)
              for g in range(GRAPHLET)]
        acc = jnp.zeros((N_GROUPS, N_FILTERS), dtype=jnp.float32)
        for g in range(GRAPHLET):
            for h in range(GRAPHLET):
                w = zs[g] * zs[h]
                acc = acc + jnp.dot(w, m_ref[GRAPHLET * g + h],
                                    preferred_element_type=jnp.float32)
        o_ref[r] = acc


@jax.jit
def kernel(inputs, filters, group_queries, pos_emb, Wk, Wp):
    b, n, d = inputs.shape
    xv = jax.lax.bitcast_convert_type(inputs, jnp.bfloat16).reshape(b, n, 2 * d)
    qb = group_queries.astype(jnp.bfloat16)
    posb = pos_emb.astype(jnp.bfloat16)
    wkb = Wk.astype(jnp.bfloat16)
    m = jnp.repeat(filters.transpose(1, 2, 3, 0), PROJ_DIM, axis=2)
    m = m.reshape(GRAPHLET * GRAPHLET, REL_DIM * PROJ_DIM, N_FILTERS)
    return pl.pallas_call(
        _fused_kernel,
        grid=(b // ROWS_PER_STEP,),
        in_specs=[
            pl.BlockSpec((ROWS_PER_STEP, n, 2 * d), lambda i: (i, 0, 0)),
            pl.BlockSpec((NQ, KEY_DIM), lambda i: (0, 0)),
            pl.BlockSpec((n, KEY_DIM), lambda i: (0, 0)),
            pl.BlockSpec((d, KEY_DIM), lambda i: (0, 0)),
            pl.BlockSpec((d, REL_DIM * PROJ_DIM), lambda i: (0, 0)),
            pl.BlockSpec((GRAPHLET * GRAPHLET, REL_DIM * PROJ_DIM, N_FILTERS),
                         lambda i: (0, 0, 0)),
        ],
        out_specs=pl.BlockSpec((ROWS_PER_STEP, N_GROUPS, N_FILTERS),
                               lambda i: (i, 0, 0)),
        out_shape=jax.ShapeDtypeStruct((b, N_GROUPS, N_FILTERS), jnp.float32),
        scratch_shapes=[pltpu.VMEM((NQ, n), jnp.float32)],
    )(xv, qb, posb, wkb, Wp, m)

# --- scband reference (transcript-rebuilt; emitter-appended) ---
"""Pipeline reference for scband-relational-graphlet-convolution-group-attn-63977832841260 (READ-ONLY COPY).

The authoritative reference and input builder live on the scoring server;
editing this copy changes nothing except your own understanding.
"""

import jax, jax.numpy as jnp
import numpy as np

N_FILTERS = 16
GRAPHLET = 3
N_GROUPS = 32
REL_DIM = 16
PROJ_DIM = 16  # mdipr proj_dim == rel_dim per build()
KEY_DIM = 16
BATCH = 16
N_OBJ = 8192
OBJ_DIM = 64
BETA = KEY_DIM ** (-0.5)  # beta=None default


def setup_inputs(seed: int = 0) -> dict:
    key = jax.random.key(seed)
    ks = jax.random.split(key, 6)
    inputs = jax.random.normal(ks[0], (BATCH, N_OBJ, OBJ_DIM), dtype=jnp.float32)
    # learned params
    filters = jax.random.normal(ks[1], (N_FILTERS, GRAPHLET, GRAPHLET, REL_DIM), dtype=jnp.float32) * 0.05
    group_queries = jax.random.normal(ks[2], (N_GROUPS * GRAPHLET, KEY_DIM), dtype=jnp.float32) * 0.05
    pos_emb = jax.random.normal(ks[3], (N_OBJ, KEY_DIM), dtype=jnp.float32) * 0.05
    Wk = jax.random.normal(ks[4], (OBJ_DIM, KEY_DIM), dtype=jnp.float32) * 0.05
    Wp = jax.random.normal(ks[5], (OBJ_DIM, REL_DIM * PROJ_DIM), dtype=jnp.float32) * 0.05
    return {"inputs": inputs, "filters": filters, "group_queries": group_queries,
            "pos_emb": pos_emb, "Wk": Wk, "Wp": Wp}


def reference(inputs, filters, group_queries, pos_emb, Wk, Wp):
    b, n, d = inputs.shape
    # ---- group_attention ----
    q = jnp.take(group_queries, jnp.arange(N_GROUPS * GRAPHLET), axis=0)  # (G*g, key_dim)
    # group_attn_key == 'pos+feat'
    k = inputs @ Wk + jnp.take(pos_emb, jnp.arange(n), axis=0)[None, :, :]  # (b, n, key_dim)
    attn_logits = BETA * jnp.einsum('qd,bnd->bqn', q, k)
    attn_scores = jax.nn.softmax(attn_logits, axis=-1)  # softmax group_normalizer
    attn_output = jnp.einsum('bqn,bnd->bqd', attn_scores, inputs)
    attn_output = attn_output.reshape(b, N_GROUPS, GRAPHLET, d)
    # ---- MultiDimInnerProdRelation (symmetric): R[.,i,j,r] = <W_r x_i, W_r x_j> ----
    z = (attn_output @ Wp).reshape(b, N_GROUPS, GRAPHLET, REL_DIM, PROJ_DIM)
    R_g = jnp.einsum('bngrp,bnhrp->bnghr', z, z)  # (b, n_groups, g, g, rel_dim)
    # ---- rel_inner_prod with filters (symmetric_inner_prod=False) ----
    out = jnp.einsum('bnghr,fghr->bnf', R_g, filters)  # (b, n_groups, n_filters)
    return out

if __name__ == "__main__":
    import jax
    _d = setup_inputs()
    print(jax.jit(kernel)(*tuple(_d.values())))

</pallas_src>

<mosaic_0001>
module attributes {stable_mosaic.version = 14 : i64} {
  func.func @_fused_kernel(%arg0: i32, %arg1: memref<2x8192x128xbf16, #tpu.memory_space<vmem>>, %arg2: memref<96x16xbf16, #tpu.memory_space<vmem>>, %arg3: memref<8192x16xbf16, #tpu.memory_space<vmem>>, %arg4: memref<64x16xbf16, #tpu.memory_space<vmem>>, %arg5: memref<64x256xf32, #tpu.memory_space<vmem>>, %arg6: memref<9x256x16xf32, #tpu.memory_space<vmem>>, %arg7: memref<2x32x16xf32, #tpu.memory_space<vmem>>, %arg8: memref<96x8192xf32, #tpu.memory_space<vmem>>) attributes {dimension_semantics = [#tpu.dimension_semantics<arbitrary>], iteration_bounds = array<i64: 8>, scalar_prefetch = 0 : i64, scratch_operands = 1 : i64, tpu.core_type = #tpu.core_type<tc>, window_params = [{transform_indices = @transform_0, window_bounds = array<i64: 2, 8192, 128>}, {pipeline_mode = #tpu.pipeline_mode<synchronous>, transform_indices = @transform_1, window_bounds = array<i64: 96, 16>}, {pipeline_mode = #tpu.pipeline_mode<synchronous>, transform_indices = @transform_2, window_bounds = array<i64: 8192, 16>}, {pipeline_mode = #tpu.pipeline_mode<synchronous>, transform_indices = @transform_3, window_bounds = array<i64: 64, 16>}, {pipeline_mode = #tpu.pipeline_mode<synchronous>, transform_indices = @transform_4, window_bounds = array<i64: 64, 256>}, {pipeline_mode = #tpu.pipeline_mode<synchronous>, transform_indices = @transform_5, window_bounds = array<i64: 9, 256, 16>}, {transform_indices = @transform_6, window_bounds = array<i64: 2, 32, 16>}]} {
    %eq3A = arith.constant 0 : i32
    %eq3A_0 = arith.cmpi eq, %arg0, %eq3A : i32
    %convert_element_type3A = arith.extui %eq3A_0 : i1 to i32
    %cond3A = arith.constant 0 : i32
    %cond3A_1 = arith.cmpi ne, %convert_element_type3A, %cond3A : i32
    scf.if %cond3A_1 {
      %get3A_320 = arith.constant 0 : index
      %get3A_321 = arith.constant 0 : index
      %get3A_322 = vector.load %arg2[%get3A_320, %get3A_321] : memref<96x16xbf16, #tpu.memory_space<vmem>>, vector<96x16xbf16>
      %get3A_323 = arith.constant 0 : index
      %get3A_324 = arith.constant 0 : index
      %get3A_325 = vector.load %arg3[%get3A_323, %get3A_324] : memref<8192x16xbf16, #tpu.memory_space<vmem>>, vector<8192x16xbf16>
      %dot_general3A_326 = arith.constant dense<0.000000e+00> : vector<96x8192xf32>
      %dot_general3A_327 = tpu.matmul %get3A_322, %get3A_325, %dot_general3A_326 {dimension_numbers = #tpu.dot_dimension_numbers<[1], [1], [0], [0], [0, 0, 1, 0], [], []>, transpose_lhs_hint = false} : vector<96x16xbf16>, vector<8192x16xbf16>, vector<96x8192xf32> -> vector<96x8192xf32>
      %mul3A_328 = arith.constant 2.500000e-01 : f32
      %mul3A_329 = vector.broadcast %mul3A_328 : f32 to vector<96x8192xf32>
      %mul3A_330 = arith.mulf %mul3A_329, %dot_general3A_327 : vector<96x8192xf32>
      %swap3A_331 = arith.constant 0 : index
      %swap3A_332 = arith.constant 0 : index
      %swap3A_333 = vector.load %arg8[%swap3A_331, %swap3A_332] : memref<96x8192xf32, #tpu.memory_space<vmem>>, vector<96x8192xf32>
      tpu.vector_store %arg8[%swap3A_331, %swap3A_332], %mul3A_330 {strides = array<i32>} : memref<96x8192xf32, #tpu.memory_space<vmem>>, vector<96x8192xf32>,
    } else {
    }
    %get3A = arith.constant 0 : index
    %get3A_2 = arith.constant 0 : index
    %get3A_3 = vector.load %arg2[%get3A, %get3A_2] : memref<96x16xbf16, #tpu.memory_space<vmem>>, vector<96x16xbf16>
    %get3A_4 = arith.constant 0 : index
    %get3A_5 = arith.constant 0 : index
    %get3A_6 = vector.load %arg4[%get3A_4, %get3A_5] : memref<64x16xbf16, #tpu.memory_space<vmem>>, vector<64x16xbf16>
    %dot_general3A = arith.constant dense<0.000000e+00> : vector<96x64xf32>
    %dot_general3A_7 = tpu.matmul %get3A_3, %get3A_6, %dot_general3A {dimension_numbers = #tpu.dot_dimension_numbers<[1], [1], [0], [0], [0, 0, 1, 0], [], []>, transpose_lhs_hint = false} : vector<96x16xbf16>, vector<64x16xbf16>, vector<96x64xf32> -> vector<96x64xf32>
    %mul3A = arith.constant 2.500000e-01 : f32
    %mul3A_8 = vector.broadcast %mul3A : f32 to vector<96x64xf32>
    %mul3A_9 = arith.mulf %mul3A_8, %dot_general3A_7 : vector<96x64xf32>
    %broadcast_in_dim3A = arith.constant 0.000000e+00 : f32
    %broadcast_in_dim3A_10 = vector.broadcast %broadcast_in_dim3A : f32 to vector<96x64xf32>
    %stack3A = vector.shape_cast %broadcast_in_dim3A_10 : vector<96x64xf32> to vector<96x64x1xf32>
    %stack3A_11 = vector.shape_cast %mul3A_9 : vector<96x64xf32> to vector<96x64x1xf32>
    %stack3A_12 = tpu.concatenate %stack3A, %stack3A_11 in 2 : vector<96x64x1xf32>, vector<96x64x1xf32> -> vector<96x64x2xf32>
    %reshape3A = vector.shape_cast %stack3A_12 : vector<96x64x2xf32> to vector<96x128xf32>
    %convert_element_type3A_13 = arith.truncf %reshape3A : vector<96x128xf32> to vector<96x128xbf16>
    %get3A_14 = arith.constant 0 : index
    %get3A_15 = arith.constant 0 : index
    %get3A_16 = vector.load %arg5[%get3A_14, %get3A_15] : memref<64x256xf32, #tpu.memory_space<vmem>>, vector<64x256xf32>
    %transpose3A = tpu.transpose %get3A_16, [1, 0] : vector<64x256xf32> -> vector<256x64xf32>
    %mul3A_17 = arith.constant 1.00195313 : f32
    %mul3A_18 = vector.broadcast %mul3A_17 : f32 to vector<256x64xf32>
    %mul3A_19 = arith.mulf %transpose3A, %mul3A_18 : vector<256x64xf32>
    %broadcast_in_dim3A_20 = arith.constant 0.000000e+00 : f32
    %broadcast_in_dim3A_21 = vector.broadcast %broadcast_in_dim3A_20 : f32 to vector<256x64xf32>
    %stack3A_22 = vector.shape_cast %broadcast_in_dim3A_21 : vector<256x64xf32> to vector<256x64x1xf32>
    %stack3A_23 = vector.shape_cast %mul3A_19 : vector<256x64xf32> to vector<256x64x1xf32>
    %stack3A_24 = tpu.concatenate %stack3A_22, %stack3A_23 in 2 : vector<256x64x1xf32>, vector<256x64x1xf32> -> vector<256x64x2xf32>
    %reshape3A_25 = vector.shape_cast %stack3A_24 : vector<256x64x2xf32> to vector<256x128xf32>
    %transpose3A_26 = tpu.transpose %reshape3A_25, [1, 0] : vector<256x128xf32> -> vector<128x256xf32>
    %broadcast_in_dim3A_27 = arith.constant 1.000000e+00 : bf16
    %broadcast_in_dim3A_28 = vector.broadcast %broadcast_in_dim3A_27 : bf16 to vector<8192x8xbf16>
    %iota3A = tpu.iota {dimensions = array<i32: 1>} : vector<8192x128xi32>
    %jit3A = arith.constant 2 : i32
    %eq3A_29 = arith.constant 0 : i32
    %eq3A_30 = arith.cmpi eq, %jit3A, %eq3A_29 : i32
    %jit3A_31 = arith.constant 1 : i32
    %select_n3A = arith.select %eq3A_30, %jit3A_31, %jit3A : i32
    %rem3A = vector.broadcast %select_n3A : i32 to vector<8192x128xi32>
    %rem3A_32 = arith.remsi %iota3A, %rem3A : vector<8192x128xi32>
    %ne3A = arith.constant 0 : i32
    %ne3A_33 = vector.broadcast %ne3A : i32 to vector<8192x128xi32>
    %ne3A_34 = arith.cmpi ne, %rem3A_32, %ne3A_33 : vector<8192x128xi32>
    %lt3A = arith.constant 0 : i32
    %lt3A_35 = vector.broadcast %lt3A : i32 to vector<8192x128xi32>
    %lt3A_36 = arith.cmpi slt, %rem3A_32, %lt3A_35 : vector<8192x128xi32>
    %lt3A_37 = arith.constant 0 : i32
    %lt3A_38 = arith.cmpi slt, %select_n3A, %lt3A_37 : i32
    %ne3A_39 = vector.broadcast %lt3A_38 : i1 to vector<8192x128xi1>
    %ne3A_40 = vector.broadcast %ne3A_39 : vector<8192x128xi1> to vector<8192x128xi1>
    %ne3A_41 = arith.xori %lt3A_36, %ne3A_40 : vector<8192x128xi1>
    %and3A = arith.andi %ne3A_41, %ne3A_34 : vector<8192x128xi1>
    %add3A = vector.broadcast %select_n3A : i32 to vector<8192x128xi32>
    %add3A_42 = arith.addi %rem3A_32, %add3A : vector<8192x128xi32>
    %select_n3A_43 = arith.select %and3A, %add3A_42, %rem3A_32 : vector<8192x128xi1>, vector<8192x128xi32>
    %eq3A_44 = arith.constant 1 : i32
    %eq3A_45 = vector.broadcast %eq3A_44 : i32 to vector<8192x128xi32>
    %eq3A_46 = arith.cmpi eq, %select_n3A_43, %eq3A_45 : vector<8192x128xi32>
    %broadcast_in_dim3A_47 = arith.constant 0.000000e+00 : bf16
    %broadcast_in_dim3A_48 = vector.broadcast %broadcast_in_dim3A_47 : bf16 to vector<8192x128xbf16>
    %iota3A_49 = tpu.iota {dimensions = array<i32: 0>} : vector<32x96xi32>
    %iota3A_50 = tpu.iota {dimensions = array<i32: 1>} : vector<32x96xi32>
    %mul3A_51 = arith.constant 3 : i32
    %mul3A_52 = vector.broadcast %mul3A_51 : i32 to vector<32x96xi32>
    %mul3A_53 = arith.muli %mul3A_52, %iota3A_49 : vector<32x96xi32>
    %add3A_54 = arith.constant 0 : i32
    %add3A_55 = vector.broadcast %add3A_54 : i32 to vector<32x96xi32>
    %add3A_56 = arith.addi %mul3A_53, %add3A_55 : vector<32x96xi32>
    %eq3A_57 = arith.cmpi eq, %iota3A_50, %add3A_56 : vector<32x96xi32>
    %convert_element_type3A_58 = arith.extui %eq3A_57 : vector<32x96xi1> to vector<32x96xi32>
    %convert_element_type3A_59 = arith.sitofp %convert_element_type3A_58 : vector<32x96xi32> to vector<32x96xf32>
    %mul3A_60 = arith.constant 3 : i32
    %mul3A_61 = vector.broadcast %mul3A_60 : i32 to vector<32x96xi32>
    %mul3A_62 = arith.muli %mul3A_61, %iota3A_49 : vector<32x96xi32>
    %add3A_63 = arith.constant 1 : i32
    %add3A_64 = vector.broadcast %add3A_63 : i32 to vector<32x96xi32>
    %add3A_65 = arith.addi %mul3A_62, %add3A_64 : vector<32x96xi32>
    %eq3A_66 = arith.cmpi eq, %iota3A_50, %add3A_65 : vector<32x96xi32>
    %convert_element_type3A_67 = arith.extui %eq3A_66 : vector<32x96xi1> to vector<32x96xi32>
    %convert_element_type3A_68 = arith.sitofp %convert_element_type3A_67 : vector<32x96xi32> to vector<32x96xf32>
    %mul3A_69 = arith.constant 3 : i32
    %mul3A_70 = vector.broadcast %mul3A_69 : i32 to vector<32x96xi32>
    %mul3A_71 = arith.muli %mul3A_70, %iota3A_49 : vector<32x96xi32>
    %add3A_72 = arith.constant 2 : i32
    %add3A_73 = vector.broadcast %add3A_72 : i32 to vector<32x96xi32>
    %add3A_74 = arith.addi %mul3A_71, %add3A_73 : vector<32x96xi32>
    %eq3A_75 = arith.cmpi eq, %iota3A_50, %add3A_74 : vector<32x96xi32>
    %convert_element_type3A_76 = arith.extui %eq3A_75 : vector<32x96xi1> to vector<32x96xi32>
    %convert_element_type3A_77 = arith.sitofp %convert_element_type3A_76 : vector<32x96xi32> to vector<32x96xf32>
    %get3A_78 = arith.constant 0 : index
    %get3A_79 = arith.constant 0 : index
    %get3A_80 = arith.constant 0 : index
    %get3A_81 = vector.load %arg1[%get3A_78, %get3A_79, %get3A_80] : memref<2x8192x128xbf16, #tpu.memory_space<vmem>>, vector<1x8192x128xbf16>
    %get3A_82 = vector.shape_cast %get3A_81 : vector<1x8192x128xbf16> to vector<8192x128xbf16>
    %select_n3A_83 = arith.select %eq3A_46, %get3A_82, %broadcast_in_dim3A_48 : vector<8192x128xi1>, vector<8192x128xbf16>
    %dot_general3A_84 = arith.constant dense<0.000000e+00> : vector<96x8192xf32>
    %dot_general3A_85 = tpu.matmul %convert_element_type3A_13, %select_n3A_83, %dot_general3A_84 {dimension_numbers = #tpu.dot_dimension_numbers<[1], [1], [0], [0], [0, 0, 1, 0], [], []>, transpose_lhs_hint = false} : vector<96x128xbf16>, vector<8192x128xbf16>, vector<96x8192xf32> -> vector<96x8192xf32>
    %get3A_86 = arith.constant 0 : index
    %get3A_87 = arith.constant 0 : index
    %get3A_88 = vector.load %arg8[%get3A_86, %get3A_87] : memref<96x8192xf32, #tpu.memory_space<vmem>>, vector<96x8192xf32>
    %add3A_89 = arith.addf %dot_general3A_85, %get3A_88 : vector<96x8192xf32>
    %exp3A = math.exp %add3A_89 : vector<96x8192xf32>
    %convert_element_type3A_90 = arith.truncf %exp3A : vector<96x8192xf32> to vector<96x8192xbf16>
    %dot_general3A_91 = arith.constant dense<0.000000e+00> : vector<96x8xf32>
    %dot_general3A_92 = tpu.matmul %convert_element_type3A_90, %broadcast_in_dim3A_28, %dot_general3A_91 {dimension_numbers = #tpu.dot_dimension_numbers<[1], [0], [0], [1], [0, 0, 1, 1], [], []>, transpose_lhs_hint = false} : vector<96x8192xbf16>, vector<8192x8xbf16>, vector<96x8xf32> -> vector<96x8xf32>
    %reduce_sum3A = arith.constant dense<0.000000e+00> : vector<96xf32>
    %reduce_sum3A_93 = vector.multi_reduction <add>, %dot_general3A_92, %reduce_sum3A [1] : vector<96x8xf32> to vector<96xf32>
    %broadcast_in_dim3A_94 = vector.shape_cast %reduce_sum3A_93 : vector<96xf32> to vector<96x1xf32>
    %div3A = arith.constant 8.000000e+00 : f32
    %div3A_95 = vector.broadcast %div3A : f32 to vector<96x1xf32>
    %div3A_96 = arith.divf %broadcast_in_dim3A_94, %div3A_95 : vector<96x1xf32>
    %dot_general3A_97 = arith.constant dense<0.000000e+00> : vector<96x128xf32>
    %dot_general3A_98 = tpu.matmul %convert_element_type3A_90, %select_n3A_83, %dot_general3A_97 {dimension_numbers = #tpu.dot_dimension_numbers<[1], [0], [0], [1], [0, 0, 1, 1], [], []>, transpose_lhs_hint = false} : vector<96x8192xbf16>, vector<8192x128xbf16>, vector<96x128xf32> -> vector<96x128xf32>
    %dot_general3A_99 = arith.constant dense<0.000000e+00> : vector<96x256xf32>
    %dot_general3A_100 = tpu.matmul %dot_general3A_98, %transpose3A_26, %dot_general3A_99 {dimension_numbers = #tpu.dot_dimension_numbers<[1], [0], [0], [1], [0, 0, 1, 1], [], []>, transpose_lhs_hint = false} : vector<96x128xf32>, vector<128x256xf32>, vector<96x256xf32> -> vector<96x256xf32>
    %div3A_101 = vector.broadcast %div3A_96 : vector<96x1xf32> to vector<96x256xf32>
    %div3A_102 = arith.divf %dot_general3A_100, %div3A_101 : vector<96x256xf32>
    %dot_general3A_103 = arith.constant dense<0.000000e+00> : vector<32x256xf32>
    %dot_general3A_104 = tpu.matmul %convert_element_type3A_59, %div3A_102, %dot_general3A_103 {dimension_numbers = #tpu.dot_dimension_numbers<[1], [0], [0], [1], [0, 0, 1, 1], [], []>, transpose_lhs_hint = false} : vector<32x96xf32>, vector<96x256xf32>, vector<32x256xf32> -> vector<32x256xf32>
    %dot_general3A_105 = arith.constant dense<0.000000e+00> : vector<32x256xf32>
    %dot_general3A_106 = tpu.matmul %convert_element_type3A_68, %div3A_102, %dot_general3A_105 {dimension_numbers = #tpu.dot_dimension_numbers<[1], [0], [0], [1], [0, 0, 1, 1], [], []>, transpose_lhs_hint = false} : vector<32x96xf32>, vector<96x256xf32>, vector<32x256xf32> -> vector<32x256xf32>
    %dot_general3A_107 = arith.constant dense<0.000000e+00> : vector<32x256xf32>
    %dot_general3A_108 = tpu.matmul %convert_element_type3A_77, %div3A_102, %dot_general3A_107 {dimension_numbers = #tpu.dot_dimension_numbers<[1], [0], [0], [1], [0, 0, 1, 1], [], []>, transpose_lhs_hint = false} : vector<32x96xf32>, vector<96x256xf32>, vector<32x256xf32> -> vector<32x256xf32>
    %broadcast_in_dim3A_109 = arith.constant 0.000000e+00 : f32
    %broadcast_in_dim3A_110 = vector.broadcast %broadcast_in_dim3A_109 : f32 to vector<32x16xf32>
    %mul3A_111 = arith.mulf %dot_general3A_104, %dot_general3A_104 : vector<32x256xf32>
    %get3A_112 = arith.constant 0 : index
    %get3A_113 = arith.constant 0 : index
    %get3A_114 = arith.constant 0 : index
    %get3A_115 = vector.load %arg6[%get3A_112, %get3A_113, %get3A_114] : memref<9x256x16xf32, #tpu.memory_space<vmem>>, vector<1x256x16xf32>
    %get3A_116 = vector.shape_cast %get3A_115 : vector<1x256x16xf32> to vector<256x16xf32>
    %dot_general3A_117 = arith.constant dense<0.000000e+00> : vector<32x16xf32>
    %dot_general3A_118 = tpu.matmul %mul3A_111, %get3A_116, %dot_general3A_117 {dimension_numbers = #tpu.dot_dimension_numbers<[1], [0], [0], [1], [0, 0, 1, 1], [], []>, transpose_lhs_hint = false} : vector<32x256xf32>, vector<256x16xf32>, vector<32x16xf32> -> vector<32x16xf32>
    %add3A_119 = arith.addf %broadcast_in_dim3A_110, %dot_general3A_118 : vector<32x16xf32>
    %mul3A_120 = arith.mulf %dot_general3A_104, %dot_general3A_106 : vector<32x256xf32>
    %get3A_121 = arith.constant 1 : index
    %get3A_122 = arith.constant 0 : index
    %get3A_123 = arith.constant 0 : index
    %get3A_124 = vector.load %arg6[%get3A_121, %get3A_122, %get3A_123] : memref<9x256x16xf32, #tpu.memory_space<vmem>>, vector<1x256x16xf32>
    %get3A_125 = vector.shape_cast %get3A_124 : vector<1x256x16xf32> to vector<256x16xf32>
    %dot_general3A_126 = arith.constant dense<0.000000e+00> : vector<32x16xf32>
    %dot_general3A_127 = tpu.matmul %mul3A_120, %get3A_125, %dot_general3A_126 {dimension_numbers = #tpu.dot_dimension_numbers<[1], [0], [0], [1], [0, 0, 1, 1], [], []>, transpose_lhs_hint = false} : vector<32x256xf32>, vector<256x16xf32>, vector<32x16xf32> -> vector<32x16xf32>
    %add3A_128 = arith.addf %add3A_119, %dot_general3A_127 : vector<32x16xf32>
    %mul3A_129 = arith.mulf %dot_general3A_104, %dot_general3A_108 : vector<32x256xf32>
    %get3A_130 = arith.constant 2 : index
    %get3A_131 = arith.constant 0 : index
    %get3A_132 = arith.constant 0 : index
    %get3A_133 = vector.load %arg6[%get3A_130, %get3A_131, %get3A_132] : memref<9x256x16xf32, #tpu.memory_space<vmem>>, vector<1x256x16xf32>
    %get3A_134 = vector.shape_cast %get3A_133 : vector<1x256x16xf32> to vector<256x16xf32>
    %dot_general3A_135 = arith.constant dense<0.000000e+00> : vector<32x16xf32>
    %dot_general3A_136 = tpu.matmul %mul3A_129, %get3A_134, %dot_general3A_135 {dimension_numbers = #tpu.dot_dimension_numbers<[1], [0], [0], [1], [0, 0, 1, 1], [], []>, transpose_lhs_hint = false} : vector<32x256xf32>, vector<256x16xf32>, vector<32x16xf32> -> vector<32x16xf32>
    %add3A_137 = arith.addf %add3A_128, %dot_general3A_136 : vector<32x16xf32>
    %mul3A_138 = arith.mulf %dot_general3A_106, %dot_general3A_104 : vector<32x256xf32>
    %get3A_139 = arith.constant 3 : index
    %get3A_140 = arith.constant 0 : index
    %get3A_141 = arith.constant 0 : index
    %get3A_142 = vector.load %arg6[%get3A_139, %get3A_140, %get3A_141] : memref<9x256x16xf32, #tpu.memory_space<vmem>>, vector<1x256x16xf32>
    %get3A_143 = vector.shape_cast %get3A_142 : vector<1x256x16xf32> to vector<256x16xf32>
    %dot_general3A_144 = arith.constant dense<0.000000e+00> : vector<32x16xf32>
    %dot_general3A_145 = tpu.matmul %mul3A_138, %get3A_143, %dot_general3A_144 {dimension_numbers = #tpu.dot_dimension_numbers<[1], [0], [0], [1], [0, 0, 1, 1], [], []>, transpose_lhs_hint = false} : vector<32x256xf32>, vector<256x16xf32>, vector<32x16xf32> -> vector<32x16xf32>
    %add3A_146 = arith.addf %add3A_137, %dot_general3A_145 : vector<32x16xf32>
    %mul3A_147 = arith.mulf %dot_general3A_106, %dot_general3A_106 : vector<32x256xf32>
    %get3A_148 = arith.constant 4 : index
    %get3A_149 = arith.constant 0 : index
    %get3A_150 = arith.constant 0 : index
    %get3A_151 = vector.load %arg6[%get3A_148, %get3A_149, %get3A_150] : memref<9x256x16xf32, #tpu.memory_space<vmem>>, vector<1x256x16xf32>
    %get3A_152 = vector.shape_cast %get3A_151 : vector<1x256x16xf32> to vector<256x16xf32>
    %dot_general3A_153 = arith.constant dense<0.000000e+00> : vector<32x16xf32>
    %dot_general3A_154 = tpu.matmul %mul3A_147, %get3A_152, %dot_general3A_153 {dimension_numbers = #tpu.dot_dimension_numbers<[1], [0], [0], [1], [0, 0, 1, 1], [], []>, transpose_lhs_hint = false} : vector<32x256xf32>, vector<256x16xf32>, vector<32x16xf32> -> vector<32x16xf32>
    %add3A_155 = arith.addf %add3A_146, %dot_general3A_154 : vector<32x16xf32>
    %mul3A_156 = arith.mulf %dot_general3A_106, %dot_general3A_108 : vector<32x256xf32>
    %get3A_157 = arith.constant 5 : index
    %get3A_158 = arith.constant 0 : index
    %get3A_159 = arith.constant 0 : index
    %get3A_160 = vector.load %arg6[%get3A_157, %get3A_158, %get3A_159] : memref<9x256x16xf32, #tpu.memory_space<vmem>>, vector<1x256x16xf32>
    %get3A_161 = vector.shape_cast %get3A_160 : vector<1x256x16xf32> to vector<256x16xf32>
    %dot_general3A_162 = arith.constant dense<0.000000e+00> : vector<32x16xf32>
    %dot_general3A_163 = tpu.matmul %mul3A_156, %get3A_161, %dot_general3A_162 {dimension_numbers = #tpu.dot_dimension_numbers<[1], [0], [0], [1], [0, 0, 1, 1], [], []>, transpose_lhs_hint = false} : vector<32x256xf32>, vector<256x16xf32>, vector<32x16xf32> -> vector<32x16xf32>
    %add3A_164 = arith.addf %add3A_155, %dot_general3A_163 : vector<32x16xf32>
    %mul3A_165 = arith.mulf %dot_general3A_108, %dot_general3A_104 : vector<32x256xf32>
    %get3A_166 = arith.constant 6 : index
    %get3A_167 = arith.constant 0 : index
    %get3A_168 = arith.constant 0 : index
    %get3A_169 = vector.load %arg6[%get3A_166, %get3A_167, %get3A_168] : memref<9x256x16xf32, #tpu.memory_space<vmem>>, vector<1x256x16xf32>
    %get3A_170 = vector.shape_cast %get3A_169 : vector<1x256x16xf32> to vector<256x16xf32>
    %dot_general3A_171 = arith.constant dense<0.000000e+00> : vector<32x16xf32>
    %dot_general3A_172 = tpu.matmul %mul3A_165, %get3A_170, %dot_general3A_171 {dimension_numbers = #tpu.dot_dimension_numbers<[1], [0], [0], [1], [0, 0, 1, 1], [], []>, transpose_lhs_hint = false} : vector<32x256xf32>, vector<256x16xf32>, vector<32x16xf32> -> vector<32x16xf32>
    %add3A_173 = arith.addf %add3A_164, %dot_general3A_172 : vector<32x16xf32>
    %mul3A_174 = arith.mulf %dot_general3A_108, %dot_general3A_106 : vector<32x256xf32>
    %get3A_175 = arith.constant 7 : index
    %get3A_176 = arith.constant 0 : index
    %get3A_177 = arith.constant 0 : index
    %get3A_178 = vector.load %arg6[%get3A_175, %get3A_176, %get3A_177] : memref<9x256x16xf32, #tpu.memory_space<vmem>>, vector<1x256x16xf32>
    %get3A_179 = vector.shape_cast %get3A_178 : vector<1x256x16xf32> to vector<256x16xf32>
    %dot_general3A_180 = arith.constant dense<0.000000e+00> : vector<32x16xf32>
    %dot_general3A_181 = tpu.matmul %mul3A_174, %get3A_179, %dot_general3A_180 {dimension_numbers = #tpu.dot_dimension_numbers<[1], [0], [0], [1], [0, 0, 1, 1], [], []>, transpose_lhs_hint = false} : vector<32x256xf32>, vector<256x16xf32>, vector<32x16xf32> -> vector<32x16xf32>
    %add3A_182 = arith.addf %add3A_173, %dot_general3A_181 : vector<32x16xf32>
    %mul3A_183 = arith.mulf %dot_general3A_108, %dot_general3A_108 : vector<32x256xf32>
    %get3A_184 = arith.constant 8 : index
    %get3A_185 = arith.constant 0 : index
    %get3A_186 = arith.constant 0 : index
    %get3A_187 = vector.load %arg6[%get3A_184, %get3A_185, %get3A_186] : memref<9x256x16xf32, #tpu.memory_space<vmem>>, vector<1x256x16xf32>
    %get3A_188 = vector.shape_cast %get3A_187 : vector<1x256x16xf32> to vector<256x16xf32>
    %dot_general3A_189 = arith.constant dense<0.000000e+00> : vector<32x16xf32>
    %dot_general3A_190 = tpu.matmul %mul3A_183, %get3A_188, %dot_general3A_189 {dimension_numbers = #tpu.dot_dimension_numbers<[1], [0], [0], [1], [0, 0, 1, 1], [], []>, transpose_lhs_hint = false} : vector<32x256xf32>, vector<256x16xf32>, vector<32x16xf32> -> vector<32x16xf32>
    %add3A_191 = arith.addf %add3A_182, %dot_general3A_190 : vector<32x16xf32>
    %swap3A = arith.constant 0 : index
    %swap3A_192 = arith.constant 0 : index
    %swap3A_193 = arith.constant 0 : index
    %swap3A_194 = vector.load %arg7[%swap3A, %swap3A_192, %swap3A_193] : memref<2x32x16xf32, #tpu.memory_space<vmem>>, vector<1x32x16xf32>
    %swap3A_195 = vector.shape_cast %swap3A_194 : vector<1x32x16xf32> to vector<32x16xf32>
    %swap3A_196 = vector.shape_cast %add3A_191 : vector<32x16xf32> to vector<1x32x16xf32>
    tpu.vector_store %arg7[%swap3A, %swap3A_192, %swap3A_193], %swap3A_196 {strides = array<i32>} : memref<2x32x16xf32, #tpu.memory_space<vmem>>, vector<1x32x16xf32>,
    %get3A_197 = arith.constant 1 : index
    %get3A_198 = arith.constant 0 : index
    %get3A_199 = arith.constant 0 : index
    %get3A_200 = vector.load %arg1[%get3A_197, %get3A_198, %get3A_199] : memref<2x8192x128xbf16, #tpu.memory_space<vmem>>, vector<1x8192x128xbf16>
    %get3A_201 = vector.shape_cast %get3A_200 : vector<1x8192x128xbf16> to vector<8192x128xbf16>
    %select_n3A_202 = arith.select %eq3A_46, %get3A_201, %broadcast_in_dim3A_48 : vector<8192x128xi1>, vector<8192x128xbf16>
    %dot_general3A_203 = arith.constant dense<0.000000e+00> : vector<96x8192xf32>
    %dot_general3A_204 = tpu.matmul %convert_element_type3A_13, %select_n3A_202, %dot_general3A_203 {dimension_numbers = #tpu.dot_dimension_numbers<[1], [1], [0], [0], [0, 0, 1, 0], [], []>, transpose_lhs_hint = false} : vector<96x128xbf16>, vector<8192x128xbf16>, vector<96x8192xf32> -> vector<96x8192xf32>
    %get3A_205 = arith.constant 0 : index
    %get3A_206 = arith.constant 0 : index
    %get3A_207 = vector.load %arg8[%get3A_205, %get3A_206] : memref<96x8192xf32, #tpu.memory_space<vmem>>, vector<96x8192xf32>
    %add3A_208 = arith.addf %dot_general3A_204, %get3A_207 : vector<96x8192xf32>
    %exp3A_209 = math.exp %add3A_208 : vector<96x8192xf32>
    %convert_element_type3A_210 = arith.truncf %exp3A_209 : vector<96x8192xf32> to vector<96x8192xbf16>
    %dot_general3A_211 = arith.constant dense<0.000000e+00> : vector<96x8xf32>
    %dot_general3A_212 = tpu.matmul %convert_element_type3A_210, %broadcast_in_dim3A_28, %dot_general3A_211 {dimension_numbers = #tpu.dot_dimension_numbers<[1], [0], [0], [1], [0, 0, 1, 1], [], []>, transpose_lhs_hint = false} : vector<96x8192xbf16>, vector<8192x8xbf16>, vector<96x8xf32> -> vector<96x8xf32>
    %reduce_sum3A_213 = arith.constant dense<0.000000e+00> : vector<96xf32>
    %reduce_sum3A_214 = vector.multi_reduction <add>, %dot_general3A_212, %reduce_sum3A_213 [1] : vector<96x8xf32> to vector<96xf32>
    %broadcast_in_dim3A_215 = vector.shape_cast %reduce_sum3A_214 : vector<96xf32> to vector<96x1xf32>
    %div3A_216 = arith.constant 8.000000e+00 : f32
    %div3A_217 = vector.broadcast %div3A_216 : f32 to vector<96x1xf32>
    %div3A_218 = arith.divf %broadcast_in_dim3A_215, %div3A_217 : vector<96x1xf32>
    %dot_general3A_219 = arith.constant dense<0.000000e+00> : vector<96x128xf32>
    %dot_general3A_220 = tpu.matmul %convert_element_type3A_210, %select_n3A_202, %dot_general3A_219 {dimension_numbers = #tpu.dot_dimension_numbers<[1], [0], [0], [1], [0, 0, 1, 1], [], []>, transpose_lhs_hint = false} : vector<96x8192xbf16>, vector<8192x128xbf16>, vector<96x128xf32> -> vector<96x128xf32>
    %dot_general3A_221 = arith.constant dense<0.000000e+00> : vector<96x256xf32>
    %dot_general3A_222 = tpu.matmul %dot_general3A_220, %transpose3A_26, %dot_general3A_221 {dimension_numbers = #tpu.dot_dimension_numbers<[1], [0], [0], [1], [0, 0, 1, 1], [], []>, transpose_lhs_hint = false} : vector<96x128xf32>, vector<128x256xf32>, vector<96x256xf32> -> vector<96x256xf32>
    %div3A_223 = vector.broadcast %div3A_218 : vector<96x1xf32> to vector<96x256xf32>
    %div3A_224 = arith.divf %dot_general3A_222, %div3A_223 : vector<96x256xf32>
    %dot_general3A_225 = arith.constant dense<0.000000e+00> : vector<32x256xf32>
    %dot_general3A_226 = tpu.matmul %convert_element_type3A_59, %div3A_224, %dot_general3A_225 {dimension_numbers = #tpu.dot_dimension_numbers<[1], [0], [0], [1], [0, 0, 1, 1], [], []>, transpose_lhs_hint = false} : vector<32x96xf32>, vector<96x256xf32>, vector<32x256xf32> -> vector<32x256xf32>
    %dot_general3A_227 = arith.constant dense<0.000000e+00> : vector<32x256xf32>
    %dot_general3A_228 = tpu.matmul %convert_element_type3A_68, %div3A_224, %dot_general3A_227 {dimension_numbers = #tpu.dot_dimension_numbers<[1], [0], [0], [1], [0, 0, 1, 1], [], []>, transpose_lhs_hint = false} : vector<32x96xf32>, vector<96x256xf32>, vector<32x256xf32> -> vector<32x256xf32>
    %dot_general3A_229 = arith.constant dense<0.000000e+00> : vector<32x256xf32>
    %dot_general3A_230 = tpu.matmul %convert_element_type3A_77, %div3A_224, %dot_general3A_229 {dimension_numbers = #tpu.dot_dimension_numbers<[1], [0], [0], [1], [0, 0, 1, 1], [], []>, transpose_lhs_hint = false} : vector<32x96xf32>, vector<96x256xf32>, vector<32x256xf32> -> vector<32x256xf32>
    %broadcast_in_dim3A_231 = arith.constant 0.000000e+00 : f32
    %broadcast_in_dim3A_232 = vector.broadcast %broadcast_in_dim3A_231 : f32 to vector<32x16xf32>
    %mul3A_233 = arith.mulf %dot_general3A_226, %dot_general3A_226 : vector<32x256xf32>
    %get3A_234 = arith.constant 0 : index
    %get3A_235 = arith.constant 0 : index
    %get3A_236 = arith.constant 0 : index
    %get3A_237 = vector.load %arg6[%get3A_234, %get3A_235, %get3A_236] : memref<9x256x16xf32, #tpu.memory_space<vmem>>, vector<1x256x16xf32>
    %get3A_238 = vector.shape_cast %get3A_237 : vector<1x256x16xf32> to vector<256x16xf32>
    %dot_general3A_239 = arith.constant dense<0.000000e+00> : vector<32x16xf32>
    %dot_general3A_240 = tpu.matmul %mul3A_233, %get3A_238, %dot_general3A_239 {dimension_numbers = #tpu.dot_dimension_numbers<[1], [0], [0], [1], [0, 0, 1, 1], [], []>, transpose_lhs_hint = false} : vector<32x256xf32>, vector<256x16xf32>, vector<32x16xf32> -> vector<32x16xf32>
    %add3A_241 = arith.addf %broadcast_in_dim3A_232, %dot_general3A_240 : vector<32x16xf32>
    %mul3A_242 = arith.mulf %dot_general3A_226, %dot_general3A_228 : vector<32x256xf32>
    %get3A_243 = arith.constant 1 : index
    %get3A_244 = arith.constant 0 : index
    %get3A_245 = arith.constant 0 : index
    %get3A_246 = vector.load %arg6[%get3A_243, %get3A_244, %get3A_245] : memref<9x256x16xf32, #tpu.memory_space<vmem>>, vector<1x256x16xf32>
    %get3A_247 = vector.shape_cast %get3A_246 : vector<1x256x16xf32> to vector<256x16xf32>
    %dot_general3A_248 = arith.constant dense<0.000000e+00> : vector<32x16xf32>
    %dot_general3A_249 = tpu.matmul %mul3A_242, %get3A_247, %dot_general3A_248 {dimension_numbers = #tpu.dot_dimension_numbers<[1], [0], [0], [1], [0, 0, 1, 1], [], []>, transpose_lhs_hint = false} : vector<32x256xf32>, vector<256x16xf32>, vector<32x16xf32> -> vector<32x16xf32>
    %add3A_250 = arith.addf %add3A_241, %dot_general3A_249 : vector<32x16xf32>
    %mul3A_251 = arith.mulf %dot_general3A_226, %dot_general3A_230 : vector<32x256xf32>
    %get3A_252 = arith.constant 2 : index
    %get3A_253 = arith.constant 0 : index
    %get3A_254 = arith.constant 0 : index
    %get3A_255 = vector.load %arg6[%get3A_252, %get3A_253, %get3A_254] : memref<9x256x16xf32, #tpu.memory_space<vmem>>, vector<1x256x16xf32>
    %get3A_256 = vector.shape_cast %get3A_255 : vector<1x256x16xf32> to vector<256x16xf32>
    %dot_general3A_257 = arith.constant dense<0.000000e+00> : vector<32x16xf32>
    %dot_general3A_258 = tpu.matmul %mul3A_251, %get3A_256, %dot_general3A_257 {dimension_numbers = #tpu.dot_dimension_numbers<[1], [0], [0], [1], [0, 0, 1, 1], [], []>, transpose_lhs_hint = false} : vector<32x256xf32>, vector<256x16xf32>, vector<32x16xf32> -> vector<32x16xf32>
    %add3A_259 = arith.addf %add3A_250, %dot_general3A_258 : vector<32x16xf32>
    %mul3A_260 = arith.mulf %dot_general3A_228, %dot_general3A_226 : vector<32x256xf32>
    %get3A_261 = arith.constant 3 : index
    %get3A_262 = arith.constant 0 : index
    %get3A_263 = arith.constant 0 : index
    %get3A_264 = vector.load %arg6[%get3A_261, %get3A_262, %get3A_263] : memref<9x256x16xf32, #tpu.memory_space<vmem>>, vector<1x256x16xf32>
    %get3A_265 = vector.shape_cast %get3A_264 : vector<1x256x16xf32> to vector<256x16xf32>
    %dot_general3A_266 = arith.constant dense<0.000000e+00> : vector<32x16xf32>
    %dot_general3A_267 = tpu.matmul %mul3A_260, %get3A_265, %dot_general3A_266 {dimension_numbers = #tpu.dot_dimension_numbers<[1], [0], [0], [1], [0, 0, 1, 1], [], []>, transpose_lhs_hint = false} : vector<32x256xf32>, vector<256x16xf32>, vector<32x16xf32> -> vector<32x16xf32>
    %add3A_268 = arith.addf %add3A_259, %dot_general3A_267 : vector<32x16xf32>
    %mul3A_269 = arith.mulf %dot_general3A_228, %dot_general3A_228 : vector<32x256xf32>
    %get3A_270 = arith.constant 4 : index
    %get3A_271 = arith.constant 0 : index
    %get3A_272 = arith.constant 0 : index
    %get3A_273 = vector.load %arg6[%get3A_270, %get3A_271, %get3A_272] : memref<9x256x16xf32, #tpu.memory_space<vmem>>, vector<1x256x16xf32>
    %get3A_274 = vector.shape_cast %get3A_273 : vector<1x256x16xf32> to vector<256x16xf32>
    %dot_general3A_275 = arith.constant dense<0.000000e+00> : vector<32x16xf32>
    %dot_general3A_276 = tpu.matmul %mul3A_269, %get3A_274, %dot_general3A_275 {dimension_numbers = #tpu.dot_dimension_numbers<[1], [0], [0], [1], [0, 0, 1, 1], [], []>, transpose_lhs_hint = false} : vector<32x256xf32>, vector<256x16xf32>, vector<32x16xf32> -> vector<32x16xf32>
    %add3A_277 = arith.addf %add3A_268, %dot_general3A_276 : vector<32x16xf32>
    %mul3A_278 = arith.mulf %dot_general3A_228, %dot_general3A_230 : vector<32x256xf32>
    %get3A_279 = arith.constant 5 : index
    %get3A_280 = arith.constant 0 : index
    %get3A_281 = arith.constant 0 : index
    %get3A_282 = vector.load %arg6[%get3A_279, %get3A_280, %get3A_281] : memref<9x256x16xf32, #tpu.memory_space<vmem>>, vector<1x256x16xf32>
    %get3A_283 = vector.shape_cast %get3A_282 : vector<1x256x16xf32> to vector<256x16xf32>
    %dot_general3A_284 = arith.constant dense<0.000000e+00> : vector<32x16xf32>
    %dot_general3A_285 = tpu.matmul %mul3A_278, %get3A_283, %dot_general3A_284 {dimension_numbers = #tpu.dot_dimension_numbers<[1], [0], [0], [1], [0, 0, 1, 1], [], []>, transpose_lhs_hint = false} : vector<32x256xf32>, vector<256x16xf32>, vector<32x16xf32> -> vector<32x16xf32>
    %add3A_286 = arith.addf %add3A_277, %dot_general3A_285 : vector<32x16xf32>
    %mul3A_287 = arith.mulf %dot_general3A_230, %dot_general3A_226 : vector<32x256xf32>
    %get3A_288 = arith.constant 6 : index
    %get3A_289 = arith.constant 0 : index
    %get3A_290 = arith.constant 0 : index
    %get3A_291 = vector.load %arg6[%get3A_288, %get3A_289, %get3A_290] : memref<9x256x16xf32, #tpu.memory_space<vmem>>, vector<1x256x16xf32>
    %get3A_292 = vector.shape_cast %get3A_291 : vector<1x256x16xf32> to vector<256x16xf32>
    %dot_general3A_293 = arith.constant dense<0.000000e+00> : vector<32x16xf32>
    %dot_general3A_294 = tpu.matmul %mul3A_287, %get3A_292, %dot_general3A_293 {dimension_numbers = #tpu.dot_dimension_numbers<[1], [0], [0], [1], [0, 0, 1, 1], [], []>, transpose_lhs_hint = false} : vector<32x256xf32>, vector<256x16xf32>, vector<32x16xf32> -> vector<32x16xf32>
    %add3A_295 = arith.addf %add3A_286, %dot_general3A_294 : vector<32x16xf32>
    %mul3A_296 = arith.mulf %dot_general3A_230, %dot_general3A_228 : vector<32x256xf32>
    %get3A_297 = arith.constant 7 : index
    %get3A_298 = arith.constant 0 : index
    %get3A_299 = arith.constant 0 : index
    %get3A_300 = vector.load %arg6[%get3A_297, %get3A_298, %get3A_299] : memref<9x256x16xf32, #tpu.memory_space<vmem>>, vector<1x256x16xf32>
    %get3A_301 = vector.shape_cast %get3A_300 : vector<1x256x16xf32> to vector<256x16xf32>
    %dot_general3A_302 = arith.constant dense<0.000000e+00> : vector<32x16xf32>
    %dot_general3A_303 = tpu.matmul %mul3A_296, %get3A_301, %dot_general3A_302 {dimension_numbers = #tpu.dot_dimension_numbers<[1], [0], [0], [1], [0, 0, 1, 1], [], []>, transpose_lhs_hint = false} : vector<32x256xf32>, vector<256x16xf32>, vector<32x16xf32> -> vector<32x16xf32>
    %add3A_304 = arith.addf %add3A_295, %dot_general3A_303 : vector<32x16xf32>
    %mul3A_305 = arith.mulf %dot_general3A_230, %dot_general3A_230 : vector<32x256xf32>
    %get3A_306 = arith.constant 8 : index
    %get3A_307 = arith.constant 0 : index
    %get3A_308 = arith.constant 0 : index
    %get3A_309 = vector.load %arg6[%get3A_306, %get3A_307, %get3A_308] : memref<9x256x16xf32, #tpu.memory_space<vmem>>, vector<1x256x16xf32>
    %get3A_310 = vector.shape_cast %get3A_309 : vector<1x256x16xf32> to vector<256x16xf32>
    %dot_general3A_311 = arith.constant dense<0.000000e+00> : vector<32x16xf32>
    %dot_general3A_312 = tpu.matmul %mul3A_305, %get3A_310, %dot_general3A_311 {dimension_numbers = #tpu.dot_dimension_numbers<[1], [0], [0], [1], [0, 0, 1, 1], [], []>, transpose_lhs_hint = false} : vector<32x256xf32>, vector<256x16xf32>, vector<32x16xf32> -> vector<32x16xf32>
    %add3A_313 = arith.addf %add3A_304, %dot_general3A_312 : vector<32x16xf32>
    %swap3A_314 = arith.constant 1 : index
    %swap3A_315 = arith.constant 0 : index
    %swap3A_316 = arith.constant 0 : index
    %swap3A_317 = vector.load %arg7[%swap3A_314, %swap3A_315, %swap3A_316] : memref<2x32x16xf32, #tpu.memory_space<vmem>>, vector<1x32x16xf32>
    %swap3A_318 = vector.shape_cast %swap3A_317 : vector<1x32x16xf32> to vector<32x16xf32>
    %swap3A_319 = vector.shape_cast %add3A_313 : vector<32x16xf32> to vector<1x32x16xf32>
    tpu.vector_store %arg7[%swap3A_314, %swap3A_315, %swap3A_316], %swap3A_319 {strides = array<i32>} : memref<2x32x16xf32, #tpu.memory_space<vmem>>, vector<1x32x16xf32>,
    return
  }
  func.func @transform_0(%arg0: i32) -> (i32, i32, i32) {
    %c0_i32 = arith.constant 0 : i32
    %c0_i32_0 = arith.constant 0 : i32
    %c0_i32_1 = arith.constant 0 : i32
    return %arg0, %c0_i32, %c0_i32_0 : i32, i32, i32
  }
  func.func @transform_1(%arg0: i32) -> (i32, i32) {
    %c0_i32 = arith.constant 0 : i32
    %c0_i32_0 = arith.constant 0 : i32
    %c0_i32_1 = arith.constant 0 : i32
    return %c0_i32, %c0_i32_0 : i32, i32
  }
  func.func @transform_2(%arg0: i32) -> (i32, i32) {
    %c0_i32 = arith.constant 0 : i32
    %c0_i32_0 = arith.constant 0 : i32
    %c0_i32_1 = arith.constant 0 : i32
    return %c0_i32, %c0_i32_0 : i32, i32
  }
  func.func @transform_3(%arg0: i32) -> (i32, i32) {
    %c0_i32 = arith.constant 0 : i32
    %c0_i32_0 = arith.constant 0 : i32
    %c0_i32_1 = arith.constant 0 : i32
    return %c0_i32, %c0_i32_0 : i32, i32
  }
  func.func @transform_4(%arg0: i32) -> (i32, i32) {
    %c0_i32 = arith.constant 0 : i32
    %c0_i32_0 = arith.constant 0 : i32
    %c0_i32_1 = arith.constant 0 : i32
    return %c0_i32, %c0_i32_0 : i32, i32
  }
  func.func @transform_5(%arg0: i32) -> (i32, i32, i32) {
    %c0_i32 = arith.constant 0 : i32
    %c0_i32_0 = arith.constant 0 : i32
    %c0_i32_1 = arith.constant 0 : i32
    %c0_i32_2 = arith.constant 0 : i32
    return %c0_i32, %c0_i32_0, %c0_i32_1 : i32, i32, i32
  }
  func.func @transform_6(%arg0: i32) -> (i32, i32, i32) {
    %c0_i32 = arith.constant 0 : i32
    %c0_i32_0 = arith.constant 0 : i32
    %c0_i32_1 = arith.constant 0 : i32
    return %arg0, %c0_i32, %c0_i32_0 : i32, i32, i32
  }
}

</mosaic_0001>

<sc_bundles>
// kernel: sparse-core-data-format-call.1.cloned.1.call-start
scs
called_computation.1_lowered:
.L_overlay_start_0:
0x0: {  	s1 =	sld [smem:$0x3FD9]  }
0x1: {  	s2 =	sld [smem:$0x3FFE];
	_ =	sdelay $0x1  }
0x2: {  	s3 =	srdreg.scid  }
0x3: {  	s0 =	sand.u32 $0x1, s3  }
0x4: {  	s17 =	sshll.u32 s0, $0xA;
	s1 =	sadd.s32 s2, s1  }
0x5: {  	s1 =	sadd.s32 s1, s17  }
0x6: {  	[smem:$0x3FC2] =	sst s1  }
0x7: {  	_ = 	snop  }
0x8: {  	(tm) =	ssettm $0x1  }
0x9: {  	s18 =	sld [smem:$0x3FFB];
	_ =	sdelay $0x3  }
0xa: {  	_ =	strace s18  }
0xb: {  	s1 =	sld [smem:$0x3FFC];
	_ =	sdelay $0x3  }
0xc: {  	_ =	strace s1  }
0xd: {  	s1 =	sld [smem:$0x3FFD];
	_ =	sdelay $0x3  }
0xe: {  	_ =	strace s1  }
0xf: {  	_ =	strace $0x8FFFFFFF  }
0x10: {  	s19 =	sld [smem:$0x3FDB];
	_ =	sdelay $0x1  }
0x11: {  	s20 =	simm.s32 $_scs_section_size  }
0x12: {  	s4 =	simm.s32 $_size__tile_overlayer_lowered;
	s5 =	simm.s32 $_tile_overlayer_lowered  }
0x13: {  	s23 =	simm.s32 $0x1BFF;
	s22 =	sshll.u32 s5, $0x1;
	s1 =	sadd.s32 s20, s19  }
0x14: {  	s6 =	simm.s32 $0x0;
	s21 =	sshll.u32 s4, $0x1;
	s4 =	sadd.s32 s22, s1  }
0x15: {  	[timem:s6], [sflag:s23] =	dma.local [hbm:s4], s21  }
0x16: {  	_ =	swait.ge [sflag:s23], s21  }
0x17: {  	s2 =	ssub.s32 $0x0, s21;
	[sflag:s23] =	ssyncset.done $0x0  }
0x18: {  	[sflag:s23] =	ssyncadd.s32 s2;
	_ =	sdelay $0x1  }
0x19: {  	s24 =	simm.s32 $0x1B8B  }
0x1a: {  	_ =	swait.ge [sflag:s24], $0x1  }
0x1b: {  	[sflag:s24] =	ssyncset.done $0x0  }
0x1c: {  	s26 =	simm.s32 $0x1B8E;
	s25 =	sld [smem:$0x3FFE];
	[sflag:s24] =	ssyncadd.s32 $0xFFFFFFFF  }
0x1d: {  	s27 =	simm.s32 $execute0_lowered;
	[smem:$0x3FD2] =	sst s26  }
0x1e: {  	s4 =	sshll.u32 s27, $0x1;
	_ =	strace $0x80000046;
	[dreg:$0x1] =	wrdreg $0xFFFFFFFF  }
0x1f: {  	s28 =	simm.s32 $_size_execute0_lowered;
	s1 =	sadd.s32 s1, s4;
	[dreg:$0x0] =	wrdreg $0x0  }
0x20: {  	s4 =	sshll.u32 s28, $0x1;
	[dreg:$0x2] =	wrdreg s1  }
0x21: {  	[dreg:$0x3] =	wrdreg s4  }
0x22: {  	[dreg:$0x4] =	wrdreg $0xC0  }
0x23: {  	_ =	task [dreg:s6], $0x5FFFF  }
0x24: {  	[dreg:$0x1] =	wrdreg $0xFFFFFFFF  }
0x25: {  	[dreg:$0x0] =	wrdreg $0x60  }
0x26: {  	[dreg:$0x2] =	wrdreg s25  }
0x27: {  	[dreg:$0x3] =	wrdreg $0x9  }
0x28: {  	_ =	task.clear_ibuf [dreg:s6], $0x4FFFF;
	_ =	strace $0x90000046  }
0x29: {  	s29 =	simm.s32 $0x9;
	_ =	strace $0x80000048  }
0x2a: {  	_ =	swait.ge [sflag:s29], $0x1  }
0x2b: {  	[sflag:s29] =	ssyncadd.s32 $0xFFFFFFFF  }
0x2c: {  	_ =	strace $0x90000048  }
0x2d: {  	_ =	sfence  }
0x2e: {  	s30 =	sld [smem:$0x0];
	_ =	sdelay $0x2  }
0x2f: {  	s31 =	sshll.u32 s3, $0xD;
	s3 =	sshrl.u32 s3, $0x2  }
0x30: {  	s2 =	sand.u32 $0x4000, s31;
	s1 =	sadd.s32 s3, s30  }
0x31: {  	s0 =	sor.u32 s2, s0;
	s1 =	sshll.u32 s1, $0x11  }
0x32: {  	s0 =	sor.u32 s1, s0  }
0x33: {  	s0 =	sadd.s32 $0x8F2B, s0  }
0x34: {  	[sflag:s0] =	ssyncadd.remote.s32 $0x1  }
0x35: {  	_ =	sfence.sel $0xFFFF  }
0x36: {  	[dreg:$0x0] =	wrdreg $0xFFFFFFFF;
	(pc) =	sbr.abs _section_cstart, $3  }
0x37: {  	[dreg:$0x1] =	wrdreg $0xFFFFFFFF  }
0x38: {  	_ =	task.clear_ibuf [dreg:s6], $0x2FFFF;
	_ =	strace $0x9FFFFFFF  }
0x39: {  	(tm) =	ssettm $0x7FFFFFFF  }
tec
execute0_lowered:
.L_overlay_start_1:
0x0: {  	(tag) =	ssettag $0x1  }
0x1: {  	s0 =	stileid.u32;
	s1 =	srdreg.scid  }
0x2: {  	s7 =	rddreg [dreg:$0x0];
	s31 =	simm.s32 $0x2;
	s15 =	simm.s32 $0x0  }
0x3: {  	s10 =	simm.s32 $0x0;
	s16 =	simm.s32 $0x0;
	s17 =	simm.s32 $0x0  }
0x4: {  	s12 =	simm.s32 $0x0;
	s3 =	sshll.u32 s0, $0x4;
	s1 =	sshll.u32 s1, $0x8  }
0x5: {  	s14 =	simm.s32 $0x0;
	s2 =	sshll.u32 s0, $0x1;
	s1 =	sor.u32 s3, s1  }
0x6: {  	s24 =	simm.s32 $0x0;
	s2 =	sand.u32 $0xE, s2;
	s3 =	sand.u32 $0x180, s1  }
0x7: {  	s4 =	ssub.s32 $0x10, s2;
	s1 =	rddreg [dreg:$0x1];
	_ =	strace $0x80000047  }
0x8: {  	s5 =	sand.u32 $0xE, s4;
	s6 =	ssub.s32 $0x2000, s3;
	s4 =	sshrl.u32 s4, $0x4  }
0x9: {  	p0 =	sne.s32 s5, $0x0;
	s5 =	simm.s32 $0x1;
	s8 =	sand.u32 $0x180, s6  }
0xa: {  	s5 =	simm.s32 @!p0 $0x0;
	p0 =	sne.s32 s8, $0x0;
	s8 =	simm.s32 $0x1  }
.Ltmp0:
0xb: {  	s6 =	sshrl.u32 s6, $0x9;
	s8 =	simm.s32 @!p0 $0x0;
	(pc) =	sbr.rel .LBB1_1-.Ltmp0, $4  }
0xc: {  	s13 =	smov.u32 s2;
	s9 =	sadd.s32 s5, s4;
	s6 =	sadd.s32 s8, s6  }
0xd: {  	s11 =	smov.u32 s3;
	s5 =	simm.s32 $0x1;
	s6 =	smul.u32 s9, s6  }
0xe: {  	s4 =	sadd.s32 $0x1200, s7;
	s7 =	sadd.s32 $0x101200, s7;
	[sflag:s5] =	ssyncpa.u1 $0x0  }
0xf: {  	[sflag:s31] =	ssyncpa.u1 $0x0;
	s9 =	simm.s32 $0x20000;
	s8 =	sadd.s32 $0x1, s6  }
.LBB1_7:
0x10: {  	s18 =	sadd.s32 $0x200, s11  }
0x11: {  	s15 =	sadd.s32 $0x40, s12;
	s19 =	smov.u32 s12;
	p1 =	sgt.s32 s18, $0x1FFF  }
0x12: {  	s19 =	smov.u32 @p1 s15  }
0x13: {  	s21 =	smov.u32 s13;
	s15 =	sadd.s32 $0x10, s13;
	p2 =	sgt.s32 s19, $0x3F  }
0x14: {  	s21 =	smov.u32 @p2 s15  }
0x15: {  	s18 =	smov.u32 @p1 s3;
	p1 =	sgt.s32 s21, $0xF  }
0x16: {  	p0 =	slt.u32 s14, $0x2;
	s21 =	smov.u32 @p1 s2;
	p1 =	sne.s32 s14, s8  }
.Ltmp1:
0x17: {  	s20 =	simm.s32 @!p0 $0x2;
	(pc) =	sbr.rel @!p1 .LBB1_8-.Ltmp1, $4  }
0x18: {  	s16 =	smov.u32 s12;
	s17 =	smov.u32 s13;
	_ =	swait.ge @!p0 [sflag:s20], $0x4000  }
0x19: {  	s10 =	sadd.s32 $0x4000, s10;
	[sflag:s20] =	ssyncset.done @!p0 $0x0;
	s19 =	simm.s32 @p2 $0x0  }
0x1a: {  	s15 =	smov.u32 s11;
	[sflag:s20] =	ssyncadd.s32 @!p0 $0xFFFFC000;
	s11 =	smov.u32 s18  }
0x1b: {  	s12 =	smov.u32 s19;
	s14 =	sadd.s32 $0x1, s14;
	s13 =	smov.u32 s21  }
.LBB1_1:
0x1c: {  	p0 =	sge.u32 s14, s6;
	s31 =	sadd.s32 $0xFFFFFFFF, s14  }
0x1d: {  	s18 =	sxor.u32 @!p0 $0xFFFFFFFF, s14;
	s19 =	sand.u32 @!p0 $0x78, s11;
	s20 =	sshll.u32 @!p0 s12, $0xD  }
0x1e: {  	s21 =	sshll.u32 @!p0 s12, $0x7;
	s22 =	sshll.u32 @!p0 s11, $0x3;
	s18 =	sshll.u32 @!p0 s18, $0xE  }
0x1f: {  	s20 =	sand.u32 @!p0 $0x70000, s20;
	s21 =	sand.u32 @!p0 $0x380, s21;
	s18 =	sand.u32 @!p0 $0x4000, s18  }
0x20: {  	s20 =	sadd.s32 @!p0 s20, s22;
	s22 =	sand.u32 @!p0 $0x1C00, s22;
	s19 =	sor.u32 @!p0 s21, s19  }
0x21: {  	s21 =	sshll.u32 @!p0 s13, $0x10;
	s19 =	sor.u32 @!p0 s22, s19;
	s20 =	sshrl.u32 @!p0 s20, $0x3  }
0x22: {  	s21 =	sadd.s32 @!p0 s4, s21;
	s22 =	sand.u32 @!p0 $0x7, s11;
	s20 =	sand.u32 @!p0 $0xFC00, s20  }
0x23: {  	s19 =	sshrl.u32 @!p0 s19, $0x3;
	s20 =	sadd.s32 @!p0 s20, s21;
	s21 =	sshll.u32 @!p0 s22, $0x12  }
0x24: {  	s19 =	sadd.s32 @!p0 s19, s20;
	s20 =	sor.u32 @!p0 $0x400, s21;
	s21 =	simm.s32 @!p0 $0x10000  }
0x25: {  	[tilespmem:s18], [sflag:$0x1] =	stream.strided.gather @!p0 [hbm4b:s19+s20], $0x4000, s21, s20, $0x38;
	[tilespmem:$0x10000] =	vst v63  }
0x26: {  	p0 =	sge.u32 s31, s6  }
.Ltmp2:
0x27: {  	_ = 	snop;
	(pc) =	sbr.rel @p0 .LBB1_7-.Ltmp2, $1  }
0x28: {  	_ =	sdelay $0x3  }
0x29: {  	s18 =	sshll.u32 s10, $0x2  }
0x2a: {  	_ =	swait.ge [sflag:s5], $0x4000;
	s19 =	sshll.u32 s14, $0xE;
	s21 =	simm.s32 $0x0  }
0x2b: {  	p1 =	por $0x1, $0x1;
	s18 =	sand.u32 $0x10000, s18;
	[sflag:s5] =	ssyncset.done $0x0  }
0x2c: {  	s19 =	sand.u32 $0x4000, s19;
	s20 =	sshrl.u32 s18, $0x2;
	[sflag:s5] =	ssyncadd.s32 $0xFFFFC000  }
0x2d: {  	s18 =	sor.u32 $0x8000, s19;
	s19 =	sadd.s32 $0x8040, s20;
	s20 =	sadd.s32 $0x40, s20  }
.LBB1_3:
0x2e: {  	s22 =	sshll.u32 s21, $0xD  }
0x2f: {  	s22 =	sand.u32 $0x3FFFE000, s22  }
0x30: {  	s22 =	sadd.s32 s22, s20  }
0x31: {  	v0 =	vmov s22;
	_ =	sdelay $0x4  }
0x32: {  	v6 =	vld.idx.msk [tilespmem:v0+s24+$0x30 ss:$0x1], $0xffff  }
0x33: {  	v7 =	vld.idx.msk [tilespmem:v0+s24+$0xFFFFFFC0 ss:$0x1], $0xffff  }
0x34: {  	v1 =	vld.idx.msk [tilespmem:v0+s24+$0xFFFFFFD0 ss:$0x1], $0xffff  }
0x35: {  	s31 =	sshll.u32 s21, $0x7;
	v2 =	vld.idx.msk [tilespmem:v0+s24+$0xFFFFFFE0 ss:$0x1], $0xffff  }
0x36: {  	s21 =	sand.u32 $0x3FFFFF80, s31;
	v3 =	vld.idx.msk [tilespmem:v0+s24+$0xFFFFFFF0 ss:$0x1], $0xffff  }
0x37: {  	s21 =	sadd.s32 s21, s19;
	v4 =	vld.idx.msk [tilespmem:v0+s24+$0x0 ss:$0x1], $0xffff  }
0x38: {  	v5 =	vld.idx.msk [tilespmem:v0+s24+$0x10 ss:$0x1], $0xffff;
	[tilespmem:s21+$0x30] =	vst v6  }
0x39: {  	p0 =	por p1, p1;
	s23 =	simm.s32 $0x400;
	s22 =	simm.s32 $0x80;
	[tilespmem:s21+$0xFFFFFFC0] =	vst v7;
	v6 =	vld.idx.msk [tilespmem:v0+s24+$0x20 ss:$0x1], $0xffff  }
.LBB1_4:
0x3a: {  	p1 =	sne.s32 s23, $0x7E00;
	v7 =	vld.idx.msk [tilespmem:v0+s22+$0x30 ss:$0x1], $0xffff;
	[tilespmem:s21+$0xFFFFFFD0] =	vst v1  }
0x3b: {  	v8 =	vld.idx.msk [tilespmem:v0+s22+$0xFFFFFFC0 ss:$0x1], $0xffff;
	[tilespmem:s21+$0xFFFFFFE0] =	vst v2  }
0x3c: {  	v1 =	vld.idx.msk [tilespmem:v0+s22+$0xFFFFFFD0 ss:$0x1], $0xffff;
	[tilespmem:s21+$0xFFFFFFF0] =	vst v3  }
.Ltmp3:
0x3d: {  	v2 =	vld.idx.msk [tilespmem:v0+s22+$0xFFFFFFE0 ss:$0x1], $0xffff;
	[tilespmem:s21+$0x0] =	vst v4;
	(pc) =	sbr.rel @p1 .LBB1_4-.Ltmp3, $4  }
0x3e: {  	v3 =	vld.idx.msk [tilespmem:v0+s22+$0xFFFFFFF0 ss:$0x1], $0xffff;
	[tilespmem:s21+$0x10] =	vst v5  }
0x3f: {  	v4 =	vld.idx.msk [tilespmem:v0+s22+$0x0 ss:$0x1], $0xffff;
	[tilespmem:s21+$0x20] =	vst v6;
	s21 =	sadd.s32 $0x100, s21  }
0x40: {  	v5 =	vld.idx.msk [tilespmem:v0+s22+$0x10 ss:$0x1], $0xffff;
	[tilespmem:s21+$0x30] =	vst v7  }
0x41: {  	[tilespmem:s21+$0xFFFFFFC0] =	vst v8;
	v6 =	vld.idx.msk [tilespmem:v0+s22+$0x20 ss:$0x1], $0xffff;
	s22 =	sshra.s32 s23, $0x2;
	s23 =	sadd.s32 $0x200, s23  }
0x42: {  	_ =	sdelay $0x2  }
0x43: {  	[tilespmem:s21+$0xFFFFFFD0] =	vst v1  }
0x44: {  	v56 =	vld.idx.msk [tilespmem:v0+s22+$0x30 ss:$0x1], $0xffff;
	[tilespmem:s21+$0xFFFFFFE0] =	vst v2  }
0x45: {  	v57 =	vld.idx.msk [tilespmem:v0+s22+$0xFFFFFFC0 ss:$0x1], $0xffff;
	[tilespmem:s21+$0xFFFFFFF0] =	vst v3  }
0x46: {  	v58 =	vld.idx.msk [tilespmem:v0+s22+$0xFFFFFFD0 ss:$0x1], $0xffff;
	[tilespmem:s21+$0x0] =	vst v4  }
0x47: {  	v59 =	vld.idx.msk [tilespmem:v0+s22+$0xFFFFFFE0 ss:$0x1], $0xffff;
	[tilespmem:s21+$0x10] =	vst v5  }
0x48: {  	v60 =	vld.idx.msk [tilespmem:v0+s22+$0xFFFFFFF0 ss:$0x1], $0xffff;
	s31 =	sadd.s32 $0x100, s21;
	[tilespmem:s21+$0x20] =	vst v6  }
0x49: {  	v61 =	vld.idx.msk [tilespmem:v0+s22+$0x0 ss:$0x1], $0xffff;
	[tilespmem:s31+$0x30] =	vst v56  }
0x4a: {  	v62 =	vld.idx.msk [tilespmem:v0+s22+$0x10 ss:$0x1], $0xffff;
	[tilespmem:s31+$0xFFFFFFC0] =	vst v57  }
0x4b: {  	v63 =	vld.idx.msk [tilespmem:v0+s22+$0x20 ss:$0x1], $0xffff;
	[tilespmem:s31+$0xFFFFFFD0] =	vst v58  }
.Ltmp4:
0x4c: {  	[tilespmem:s31+$0xFFFFFFE0] =	vst v59;
	(pc) =	sbr.rel @p0 .LBB1_3-.Ltmp4, $4  }
0x4d: {  	[tilespmem:s31+$0xFFFFFFF0] =	vst v60  }
0x4e: {  	[tilespmem:s31+$0x0] =	vst v61  }
0x4f: {  	[tilespmem:s31+$0x10] =	vst v62  }
0x50: {  	p1 =	por $0x0, $0x0;
	s21 =	simm.s32 $0x1;
	[tilespmem:s31+$0x20] =	vst v63  }
0x51: {  	s19 =	sand.u32 $0x78, s15  }
0x52: {  	s20 =	sshll.u32 s17, $0xD;
	s29 =	sshll.u32 s17, $0x7;
	s21 =	sshll.u32 s15, $0x3  }
0x53: {  	s16 =	sshll.u32 s16, $0xE;
	s31 =	sand.u32 $0x7, s15;
	s20 =	sand.u32 $0x10000, s20  }
0x54: {  	s17 =	sand.u32 $0x380, s29;
	s20 =	sadd.s32 s20, s21;
	s21 =	sand.u32 $0x1C00, s21  }
.Ltmp5:
0x55: {  	s17 =	sor.u32 s17, s19;
	s30 =	sshrl.u32 s20, $0x3;
	(pc) =	sbr.rel .LBB1_7-.Ltmp5, $4  }
0x56: {  	s16 =	sadd.s32 s7, s16;
	s17 =	sor.u32 s21, s17;
	s19 =	sand.u32 $0x3C00, s30  }
0x57: {  	s15 =	sshll.u32 s31, $0x12;
	s17 =	sshrl.u32 s17, $0x3;
	s16 =	sadd.s32 s19, s16  }
0x58: {  	s15 =	sor.u32 $0x100, s15;
	s16 =	sadd.s32 s17, s16  }
0x59: {  	[hbm4b:s16+s15] =	stream.strided.scatter [tilespmem:s18], [sflag:$0x2], $0x4000, s9, s15, $0x38;
	[tilespmem:$0x10000] =	vst v63  }
.LBB1_8:
0x5a: {  	_ =	sfence.sel $0x180000  }
0x5b: {  	s2 =	simm.s32 $0x1;
	[bflag:$0x0] =	sbarrier.arrive $0xFFFF  }
0x5c: {  	s31 =	simm.s32 $0x2;
	[sflag:s2] =	ssyncpa.u1 $0x1  }
0x5d: {  	[sflag:s31] =	ssyncpa.u1 $0x1  }
0x5e: {  	p0 =	sne.s32 s0, $0x0;
	_ =	strace $0x90000047  }
0x5f: {  	s0 =	sadd.s32 @!p0 $0x100000, s1;
	[bflag:$0x2] =	sbarrier.arrive $0xFFFF  }
0x60: {  	[sflag:s0] =	ssyncadd.tile.s32 @!p0 $0x1;
	_ =	shalt  }
.Lfunc_end1:
_tile_overlayer_lowered:
.L_overlay_start_2:
0x61: {  	(tag) =	ssettag $0x2  }
0x62: {  	s0 =	rddreg [dreg:$0x0];
	s2 =	stileid.u32  }
0x63: {  	s1 =	rddreg [dreg:$0x1];
	p0 =	sne.s32 s2, $0x0  }
0x64: {  	s3 =	rddreg [dreg:$0x2];
	[bflag:$0x3] =	sbarrier.arrive $0xFFFF;
	s2 =	simm.s32 @!p0 $0x1C01  }
0x65: {  	[timem:s3], [sflag:s2] =	dma.local @!p0 [hbm:s0], s1  }
0x66: {  	s0 =	simm.s32 @!p0 $0x1  }
0x67: {  	_ =	swait.ge @!p0 [sflag:s0], s1  }
0x68: {  	s1 =	ssub.s32 @!p0 $0x0, s1;
	[sflag:s0] =	ssyncset.done @!p0 $0x0  }
0x69: {  	[sflag:s0] =	ssyncadd.s32 @!p0 s1  }
0x6a: {  	[bflag:$0x3] =	sbarrier.arrive $0xFFFF  }
0x6b: {  	_ =	shalt  }

// kernel: sparse-core-data-format-call.cloned.1.call-start
scs
called_computation_lowered:
.L_overlay_start_0:
0x0: {  	s1 =	sld [smem:$0x3FD9]  }
0x1: {  	s2 =	sld [smem:$0x3FFE];
	_ =	sdelay $0x1  }
0x2: {  	s3 =	srdreg.scid  }
0x3: {  	s0 =	sand.u32 $0x1, s3  }
0x4: {  	s17 =	sshll.u32 s0, $0xA;
	s1 =	sadd.s32 s2, s1  }
0x5: {  	s1 =	sadd.s32 s1, s17  }
0x6: {  	[smem:$0x3FC2] =	sst s1  }
0x7: {  	_ = 	snop  }
0x8: {  	(tm) =	ssettm $0x1  }
0x9: {  	s18 =	sld [smem:$0x3FFB];
	_ =	sdelay $0x3  }
0xa: {  	_ =	strace s18  }
0xb: {  	s1 =	sld [smem:$0x3FFC];
	_ =	sdelay $0x3  }
0xc: {  	_ =	strace s1  }
0xd: {  	s1 =	sld [smem:$0x3FFD];
	_ =	sdelay $0x3  }
0xe: {  	_ =	strace s1  }
0xf: {  	_ =	strace $0x8FFFFFFF  }
0x10: {  	s19 =	sld [smem:$0x3FDB];
	_ =	sdelay $0x1  }
0x11: {  	s20 =	simm.s32 $_scs_section_size  }
0x12: {  	s4 =	simm.s32 $_size__tile_overlayer_lowered;
	s5 =	simm.s32 $_tile_overlayer_lowered  }
0x13: {  	s23 =	simm.s32 $0x1BFF;
	s22 =	sshll.u32 s5, $0x1;
	s1 =	sadd.s32 s20, s19  }
0x14: {  	s6 =	simm.s32 $0x0;
	s21 =	sshll.u32 s4, $0x1;
	s4 =	sadd.s32 s22, s1  }
0x15: {  	[timem:s6], [sflag:s23] =	dma.local [hbm:s4], s21  }
0x16: {  	_ =	swait.ge [sflag:s23], s21  }
0x17: {  	s2 =	ssub.s32 $0x0, s21;
	[sflag:s23] =	ssyncset.done $0x0  }
0x18: {  	[sflag:s23] =	ssyncadd.s32 s2;
	_ =	sdelay $0x1  }
0x19: {  	s24 =	simm.s32 $0x1B8B  }
0x1a: {  	_ =	swait.ge [sflag:s24], $0x1  }
0x1b: {  	[sflag:s24] =	ssyncset.done $0x0  }
0x1c: {  	s26 =	simm.s32 $0x1B8E;
	s25 =	sld [smem:$0x3FFE];
	[sflag:s24] =	ssyncadd.s32 $0xFFFFFFFF  }
0x1d: {  	s27 =	simm.s32 $execute0_lowered;
	[smem:$0x3FD2] =	sst s26  }
0x1e: {  	s4 =	sshll.u32 s27, $0x1;
	_ =	strace $0x80000049;
	[dreg:$0x1] =	wrdreg $0xFFFFFFFF  }
0x1f: {  	s28 =	simm.s32 $_size_execute0_lowered;
	s1 =	sadd.s32 s1, s4;
	[dreg:$0x0] =	wrdreg $0x0  }
0x20: {  	s4 =	sshll.u32 s28, $0x1;
	[dreg:$0x2] =	wrdreg s1  }
0x21: {  	[dreg:$0x3] =	wrdreg s4  }
0x22: {  	[dreg:$0x4] =	wrdreg $0xC0  }
0x23: {  	_ =	task [dreg:s6], $0x5FFFF  }
0x24: {  	[dreg:$0x1] =	wrdreg $0xFFFFFFFF  }
0x25: {  	[dreg:$0x0] =	wrdreg $0x60  }
0x26: {  	[dreg:$0x2] =	wrdreg s25  }
0x27: {  	[dreg:$0x3] =	wrdreg $0x9  }
0x28: {  	_ =	task.clear_ibuf [dreg:s6], $0x4FFFF;
	_ =	strace $0x90000049  }
0x29: {  	s29 =	simm.s32 $0x9;
	_ =	strace $0x8000004B  }
0x2a: {  	_ =	swait.ge [sflag:s29], $0x1  }
0x2b: {  	[sflag:s29] =	ssyncadd.s32 $0xFFFFFFFF  }
0x2c: {  	_ =	strace $0x9000004B  }
0x2d: {  	_ =	sfence  }
0x2e: {  	s30 =	sld [smem:$0x0];
	_ =	sdelay $0x2  }
0x2f: {  	s31 =	sshll.u32 s3, $0xD;
	s3 =	sshrl.u32 s3, $0x2  }
0x30: {  	s2 =	sand.u32 $0x4000, s31;
	s1 =	sadd.s32 s3, s30  }
0x31: {  	s0 =	sor.u32 s2, s0;
	s1 =	sshll.u32 s1, $0x11  }
0x32: {  	s0 =	sor.u32 s1, s0  }
0x33: {  	s0 =	sadd.s32 $0x8F2B, s0  }
0x34: {  	[sflag:s0] =	ssyncadd.remote.s32 $0x1  }
0x35: {  	_ =	sfence.sel $0xFFFF  }
0x36: {  	[dreg:$0x0] =	wrdreg $0xFFFFFFFF;
	(pc) =	sbr.abs _section_cstart, $3  }
0x37: {  	[dreg:$0x1] =	wrdreg $0xFFFFFFFF  }
0x38: {  	_ =	task.clear_ibuf [dreg:s6], $0x2FFFF;
	_ =	strace $0x9FFFFFFF  }
0x39: {  	(tm) =	ssettm $0x7FFFFFFF  }
tec
execute0_lowered:
.L_overlay_start_1:
0x0: {  	(tag) =	ssettag $0x1  }
0x1: {  	s1 =	rddreg [dreg:$0x0]  }
0x2: {  	s2 =	srdreg.scid;
	s0 =	rddreg [dreg:$0x1];
	_ =	strace $0x8000004A  }
0x3: {  	s5 =	simm.s32 $0x1;
	s8 =	simm.s32 $0x2;
	s14 =	simm.s32 $0x0  }
0x4: {  	p0 =	por $0x0, $0x0;
	s13 =	simm.s32 $0x0;
	s2 =	sshll.u32 s2, $0x7  }
0x5: {  	s12 =	simm.s32 $0x0;
	s9 =	stileid.u32;
	s2 =	sand.u32 $0x80, s2  }
.Ltmp0:
0x6: {  	s10 =	simm.s32 $0x0;
	s6 =	ssub.s32 $0x2000, s2;
	(pc) =	sbr.rel .LBB1_1-.Ltmp0, $4  }
0x7: {  	s11 =	simm.s32 $0x0;
	s3 =	sadd.s32 $0x201200, s1;
	s7 =	sshrl.u32 s6, $0x7  }
0x8: {  	s4 =	sadd.s32 $0x1200, s1;
	s6 =	sshrl.u32 s6, $0x8;
	s7 =	sand.u32 $0x1, s7  }
0x9: {  	s1 =	stileid.u32;
	[sflag:s5] =	ssyncpa.u1 $0x0;
	s6 =	sadd.s32 s6, s7  }
0xa: {  	[sflag:s8] =	ssyncpa.u1 $0x0;
	s8 =	smov.u32 s2;
	s7 =	sadd.s32 $0x1, s6  }
.LBB1_4:
0xb: {  	v5 =	vld [tilespmem:s18+$0xFFFFFFD0];
	[tilespmem:s17+$0x2040 ss:$0x81] =	vst.msk $0xffff, v1  }
0xc: {  	v58 =	vld [tilespmem:s18+$0xFFFFFFE0];
	[tilespmem:s17+$0x2850 ss:$0x81] =	vst.msk $0xffff, v2  }
0xd: {  	s19 =	sshra.s32 s19, $0x2;
	v59 =	vld [tilespmem:s18+$0xFFFFFFF0];
	[tilespmem:s17+$0x3060 ss:$0x81] =	vst.msk $0xffff, v3  }
0xe: {  	v60 =	vld [tilespmem:s18+$0x0];
	[tilespmem:s17+$0x0 ss:$0x81] =	vst.msk $0xffff, v0;
	s16 =	sadd.s32 s19, s16  }
0xf: {  	v61 =	vld [tilespmem:s18+$0x10];
	[tilespmem:s16+$0x3870 ss:$0x81] =	vst.msk $0xffff, v4  }
0x10: {  	v62 =	vld [tilespmem:s18+$0x20];
	s14 =	sshll.u32 s14, $0x7;
	s28 =	sshll.u32 s12, $0x3;
	[tilespmem:s16+$0x810 ss:$0x81] =	vst.msk $0xffff, v5  }
0x11: {  	v63 =	vld [tilespmem:s18+$0xFFFFFFC0];
	s29 =	sand.u32 $0xFFC00, s14;
	s17 =	sand.u32 $0xFFC00, s28;
	[tilespmem:s16+$0x1020 ss:$0x81] =	vst.msk $0xffff, v58  }
0x12: {  	s14 =	sand.u32 $0x380, s14;
	s17 =	sadd.s32 s17, s29;
	[tilespmem:s16+$0x1830 ss:$0x81] =	vst.msk $0xffff, v59  }
0x13: {  	s13 =	sshll.u32 s13, $0x11;
	s30 =	sshrl.u32 s12, $0x3;
	s14 =	sor.u32 s14, s17;
	[tilespmem:s16+$0x2040 ss:$0x81] =	vst.msk $0xffff, v60  }
0x14: {  	s13 =	sadd.s32 s4, s13;
	s17 =	sand.u32 $0xF, s30;
	s14 =	sshrl.u32 s14, $0x3;
	[tilespmem:s16+$0x2850 ss:$0x81] =	vst.msk $0xffff, v61  }
0x15: {  	s13 =	sadd.s32 s17, s13;
	[tilespmem:s16+$0x3060 ss:$0x81] =	vst.msk $0xffff, v62;
	s14 =	sand.u32 $0x1FFF0, s14  }
0x16: {  	s31 =	sand.u32 $0x7, s12;
	[tilespmem:s16+$0x0 ss:$0x81] =	vst.msk $0xffff, v63;
	s13 =	sadd.s32 s14, s13  }
0x17: {  	[hbm4b:s13+s31] =	stream.linear.scatter [tilespmem:s15], [sflag:$0x2], $0x4000, $0x20;
	[tilespmem:$0x10100] =	vst v63  }
.LBB1_5:
0x18: {  	s15 =	sadd.s32 $0x100, s8  }
0x19: {  	s12 =	sadd.s32 $0x10, s9;
	s16 =	smov.u32 s9;
	p2 =	sgt.s32 s15, $0x1FFF  }
0x1a: {  	s16 =	smov.u32 @p2 s12  }
0x1b: {  	s18 =	smov.u32 s10;
	s12 =	sadd.s32 $0x80, s10;
	p3 =	sgt.s32 s16, $0xF  }
0x1c: {  	s18 =	smov.u32 @p3 s12  }
0x1d: {  	s15 =	smov.u32 @p2 s2;
	p2 =	sgt.s32 s18, $0x7F  }
0x1e: {  	p1 =	slt.u32 s11, $0x2;
	s18 =	simm.s32 @p2 $0x0;
	p2 =	sne.s32 s11, s7  }
.Ltmp1:
0x1f: {  	s17 =	simm.s32 @!p1 $0x2;
	(pc) =	sbr.rel @!p2 .LBB1_6-.Ltmp1, $4  }
0x20: {  	s14 =	smov.u32 s8;
	s13 =	smov.u32 s9;
	_ =	swait.ge @!p1 [sflag:s17], $0x4000  }
0x21: {  	p0 =	por !p0, !p0;
	[sflag:s17] =	ssyncset.done @!p1 $0x0;
	s8 =	smov.u32 s15  }
0x22: {  	s16 =	smov.u32 @p3 s1;
	s12 =	smov.u32 s10;
	[sflag:s17] =	ssyncadd.s32 @!p1 $0xFFFFC000  }
0x23: {  	s9 =	smov.u32 s16;
	s11 =	sadd.s32 $0x1, s11;
	s10 =	smov.u32 s18  }
.LBB1_1:
0x24: {  	p1 =	sge.u32 s11, s6;
	s31 =	sadd.s32 $0xFFFFFFFF, s11  }
0x25: {  	s15 =	sxor.u32 @!p1 $0xFFFFFFFF, s11;
	s16 =	sand.u32 @!p1 $0x78, s8;
	s17 =	sshll.u32 @!p1 s9, $0xD  }
0x26: {  	s18 =	sshll.u32 @!p1 s9, $0x7;
	s19 =	sshll.u32 @!p1 s8, $0x3;
	s15 =	sshll.u32 @!p1 s15, $0xE  }
0x27: {  	s17 =	sand.u32 @!p1 $0x10000, s17;
	s18 =	sand.u32 @!p1 $0x380, s18;
	s15 =	sand.u32 @!p1 $0x4000, s15  }
0x28: {  	s17 =	sadd.s32 @!p1 s17, s19;
	s19 =	sand.u32 @!p1 $0x1C00, s19;
	s16 =	sor.u32 @!p1 s18, s16  }
0x29: {  	s18 =	sshll.u32 @!p1 s10, $0xE;
	s16 =	sor.u32 @!p1 s19, s16;
	s17 =	sshrl.u32 @!p1 s17, $0x3  }
0x2a: {  	s18 =	sadd.s32 @!p1 s3, s18;
	s19 =	sand.u32 @!p1 $0x7, s8;
	s17 =	sand.u32 @!p1 $0x3C00, s17  }
0x2b: {  	s16 =	sshrl.u32 @!p1 s16, $0x3;
	s17 =	sadd.s32 @!p1 s17, s18;
	s18 =	sshll.u32 @!p1 s19, $0x12  }
0x2c: {  	s16 =	sadd.s32 @!p1 s16, s17;
	s17 =	sor.u32 @!p1 $0x80, s18;
	s18 =	simm.s32 @!p1 $0x20000  }
0x2d: {  	[tilespmem:s15], [sflag:$0x1] =	stream.strided.gather @!p1 [hbm4b:s16+s17], $0x4000, s18, s17, $0x38;
	[tilespmem:$0x10100] =	vst v63  }
0x2e: {  	p1 =	sge.u32 s31, s6  }
.Ltmp2:
0x2f: {  	_ = 	snop;
	(pc) =	sbr.rel @p1 .LBB1_5-.Ltmp2, $1  }
0x30: {  	_ =	sdelay $0x3  }
0x31: {  	s15 =	simm.s32 $0x1  }
0x32: {  	_ =	swait.ge [sflag:s5], $0x4000;
	s15 =	simm.s32 @!p0 $0x0  }
0x33: {  	[sflag:s5] =	ssyncset.done $0x0;
	s16 =	sshll.u32 s15, $0xE  }
0x34: {  	[sflag:s5] =	ssyncadd.s32 $0xFFFFC000;
	s18 =	sor.u32 $0x40, s16  }
0x35: {  	s15 =	smul.u32 $0x10200, s15;
	v0 =	vld [tilespmem:s18+$0x30]  }
0x36: {  	v3 =	vld [tilespmem:s18+$0xFFFFFFD0]  }
0x37: {  	s15 =	sshrl.u32 s15, $0x2;
	v4 =	vld [tilespmem:s18+$0xFFFFFFE0]  }
0x38: {  	v5 =	vld [tilespmem:s18+$0xFFFFFFF0];
	s16 =	sor.u32 $0x8000, s15  }
0x39: {  	s31 =	sand.u32 $0x1, s11;
	v1 =	vld [tilespmem:s18+$0x0];
	s17 =	sadd.s32 $0x0, s16  }
0x3a: {  	v2 =	vld [tilespmem:s18+$0x10];
	s15 =	smul.u32 $0x10200, s31;
	[tilespmem:s17+$0x3870 ss:$0x81] =	vst.msk $0xffff, v0  }
0x3b: {  	[tilespmem:s17+$0x810 ss:$0x81] =	vst.msk $0xffff, v3;
	v3 =	vld [tilespmem:s18+$0x20]  }
0x3c: {  	s15 =	sshrl.u32 s15, $0x2;
	v0 =	vld [tilespmem:s18+$0xFFFFFFC0];
	[tilespmem:s17+$0x1020 ss:$0x81] =	vst.msk $0xffff, v4;
	s18 =	sadd.s32 $0x80, s18  }
0x3d: {  	s19 =	simm.s32 $0x4;
	s20 =	simm.s32 $0x8;
	s15 =	sor.u32 $0x8000, s15;
	[tilespmem:s17+$0x1830 ss:$0x81] =	vst.msk $0xffff, v5;
	v4 =	vld [tilespmem:s18+$0x30]  }
.LBB1_3:
0x3e: {  	p1 =	sne.s32 s20, $0x1FC;
	v5 =	vld [tilespmem:s18+$0xFFFFFFD0];
	[tilespmem:s17+$0x2040 ss:$0x81] =	vst.msk $0xffff, v1  }
0x3f: {  	v6 =	vld [tilespmem:s18+$0xFFFFFFE0];
	[tilespmem:s17+$0x2850 ss:$0x81] =	vst.msk $0xffff, v2  }
0x40: {  	s21 =	sshra.s32 s19, $0x2;
	s19 =	smov.u32 s20;
	v7 =	vld [tilespmem:s18+$0xFFFFFFF0];
	[tilespmem:s17+$0x3060 ss:$0x81] =	vst.msk $0xffff, v3  }
.Ltmp3:
0x41: {  	v1 =	vld [tilespmem:s18+$0x0];
	[tilespmem:s17+$0x0 ss:$0x81] =	vst.msk $0xffff, v0;
	s17 =	sadd.s32 s21, s16;
	(pc) =	sbr.rel @p1 .LBB1_3-.Ltmp3, $4  }
0x42: {  	v2 =	vld [tilespmem:s18+$0x10];
	[tilespmem:s17+$0x3870 ss:$0x81] =	vst.msk $0xffff, v4  }
0x43: {  	[tilespmem:s17+$0x810 ss:$0x81] =	vst.msk $0xffff, v5;
	v3 =	vld [tilespmem:s18+$0x20]  }
0x44: {  	v0 =	vld [tilespmem:s18+$0xFFFFFFC0];
	[tilespmem:s17+$0x1020 ss:$0x81] =	vst.msk $0xffff, v6;
	s18 =	sadd.s32 $0x80, s18  }
0x45: {  	s20 =	sadd.s32 $0x4, s20;
	v4 =	vld [tilespmem:s18+$0x30];
	[tilespmem:s17+$0x1830 ss:$0x81] =	vst.msk $0xffff, v7  }
.Ltmp4:
0x46: {  	_ = 	snop;
	(pc) =	sbr.rel .LBB1_4-.Ltmp4, $1  }
0x47: {  	_ =	sdelay $0x3  }
.LBB1_6:
0x48: {  	_ =	sfence.sel $0x180000  }
0x49: {  	s2 =	simm.s32 $0x1;
	[bflag:$0x0] =	sbarrier.arrive $0xFFFF  }
0x4a: {  	s31 =	simm.s32 $0x2;
	[sflag:s2] =	ssyncpa.u1 $0x1  }
0x4b: {  	[sflag:s31] =	ssyncpa.u1 $0x1  }
0x4c: {  	p0 =	sne.s32 s1, $0x0;
	_ =	strace $0x9000004A  }
0x4d: {  	s0 =	sadd.s32 @!p0 $0x100000, s0;
	[bflag:$0x2] =	sbarrier.arrive $0xFFFF  }
0x4e: {  	[sflag:s0] =	ssyncadd.tile.s32 @!p0 $0x1;
	_ =	shalt  }
.Lfunc_end1:
_tile_overlayer_lowered:
.L_overlay_start_2:
0x4f: {  	(tag) =	ssettag $0x2  }
0x50: {  	s0 =	rddreg [dreg:$0x0];
	s2 =	stileid.u32  }
0x51: {  	s1 =	rddreg [dreg:$0x1];
	p0 =	sne.s32 s2, $0x0  }
0x52: {  	s3 =	rddreg [dreg:$0x2];
	[bflag:$0x3] =	sbarrier.arrive $0xFFFF;
	s2 =	simm.s32 @!p0 $0x1C01  }
0x53: {  	[timem:s3], [sflag:s2] =	dma.local @!p0 [hbm:s0], s1  }
0x54: {  	s0 =	simm.s32 @!p0 $0x1  }
0x55: {  	_ =	swait.ge @!p0 [sflag:s0], s1  }
0x56: {  	s1 =	ssub.s32 @!p0 $0x0, s1;
	[sflag:s0] =	ssyncset.done @!p0 $0x0  }
0x57: {  	[sflag:s0] =	ssyncadd.s32 @!p0 s1  }
0x58: {  	[bflag:$0x3] =	sbarrier.arrive $0xFFFF  }
0x59: {  	_ =	shalt  }

</sc_bundles>
